<compile_context>
chip_gen: v7x
topology: tpu7x:2x2x1
jax: 0.10.2.dev20260603
libtpu: 0.0.44.dev20260713+nightly
codegen_flags: <defaults>
</compile_context>

<pallas_src>
import jax
import jax.numpy as jnp
from jax import lax
from jax.experimental import pallas as pl
from jax.experimental.pallas import tpu as pltpu
from jax.experimental.pallas import tpu_sc as plsc

_B, _N, _D, _H = 8, 65536, 7, 64
_GH, _GW = 32, 32
_S = _GH * _GW
_C = 4096
_NC = _N // _C

_NCORE, _NSUB = 2, 16
_W = 128
_BH = _B // 2
_BNH = _BH * _N
_HALF_S = (_BH // _NCORE) * _S
_PPT = _BNH // (_NCORE * _NSUB)
_K = 128
_ROWS_PER_TILE = _HALF_S // _NSUB


def _span_kernel(xc_ref, out_ref, spans):
    i = pl.program_id(1)
    c0 = xc_ref[0, 0:1, :]
    c1 = xc_ref[0, 1:2, :]

    @pl.when(i == 0)
    def _init():
        spans[0] = jnp.float32(jnp.inf)
        spans[1] = jnp.float32(-jnp.inf)
        spans[2] = jnp.float32(jnp.inf)
        spans[3] = jnp.float32(-jnp.inf)

    spans[0] = jnp.minimum(spans[0], jnp.min(c0))
    spans[1] = jnp.maximum(spans[1], jnp.max(c0))
    spans[2] = jnp.minimum(spans[2], jnp.min(c1))
    spans[3] = jnp.maximum(spans[3], jnp.max(c1))

    @pl.when(i == _NC - 1)
    def _emit():
        lane = lax.broadcasted_iota(jnp.int32, (1, 128), 1)
        vec = jnp.where(
            lane == 0,
            spans[0],
            jnp.where(lane == 1, spans[1], jnp.where(lane == 2, spans[2], spans[3])),
        )
        out_ref[0] = vec


def _encode_kernel(spans_ref, x_ref, xc_ref, W1_ref, b1_ref, W2_ref, b2_ref,
                   phi_ref, seg_ref):
    b = pl.program_id(0)
    xb = x_ref[0]
    c0 = xc_ref[0, 0:1, :]
    c1 = xc_ref[0, 1:2, :]
    x_min = spans_ref[0, 0, 0]
    x_max = spans_ref[0, 0, 1]
    y_min = spans_ref[0, 0, 2]
    y_max = spans_ref[0, 0, 3]
    x_span = jnp.maximum(x_max - x_min, 1e-8)
    y_span = jnp.maximum(y_max - y_min, 1e-8)
    gx = jnp.clip(((c0 - x_min) / x_span * _GH).astype(jnp.int32), 0, _GH - 1)
    gy = jnp.clip(((c1 - y_min) / y_span * _GW).astype(jnp.int32), 0, _GW - 1)
    seg_ref[0, 0] = (gx * _GW + gy + (b % (_BH // _NCORE)) * _S)[0]

    h = jnp.maximum(
        jnp.dot(xb, W1_ref[...], preferred_element_type=jnp.float32)
        + b1_ref[...],
        0.0,
    )
    phi = (
        jnp.dot(h, W2_ref[...], preferred_element_type=jnp.float32)
        + b2_ref[...]
    )
    phi_ref[...] = jnp.concatenate(
        [phi, jnp.zeros((_C, _W - _H), jnp.float32)], axis=1
    )


def _sc_segment_sum(phi_hbm, seg_hbm, z_hbm, out_hbm,
                    idx_a, idx_b, rows_a, rows_b, acc, sem_a, sem_b):
    c = lax.axis_index("c")
    s = lax.axis_index("s")
    point_base = c * (_BNH // _NCORE) + s * _PPT

    def issue(base, idx_v, rows_v, sem):
        pltpu.async_copy(seg_hbm.at[pl.ds(base, _K)], idx_v, sem)
        pltpu.async_copy(phi_hbm.at[pl.ds(base, _K), :], rows_v, sem)

    def drain(base, idx_v, rows_v, sem):
        pltpu.make_async_copy(seg_hbm.at[pl.ds(base, _K)], idx_v, sem).wait()
        pltpu.make_async_copy(
            phi_hbm.at[pl.ds(base, _K), :], rows_v, sem
        ).wait()

    issue(point_base, idx_a, rows_a, sem_a)
    pltpu.sync_copy(z_hbm, acc.at[pl.ds(s * _ROWS_PER_TILE, _ROWS_PER_TILE)])
    plsc.subcore_barrier()

    n_outer = _PPT // _K // 2
    last = point_base + _PPT - _K

    def step(jj, carry):
        base_a = point_base + (2 * jj) * _K
        base_b = base_a + _K
        base_n = jnp.minimum(base_b + _K, last)
        issue(base_b, idx_b, rows_b, sem_b)
        drain(base_a, idx_a, rows_a, sem_a)
        pltpu.sync_copy(rows_a, acc.at[idx_a], add=True)
        issue(base_n, idx_a, rows_a, sem_a)
        drain(base_b, idx_b, rows_b, sem_b)
        pltpu.sync_copy(rows_b, acc.at[idx_b], add=True)
        return carry

    lax.fori_loop(0, n_outer, step, 0)
    drain(last, idx_a, rows_a, sem_a)
    plsc.subcore_barrier()

    src = acc.at[pl.ds(s * _ROWS_PER_TILE, _ROWS_PER_TILE)]
    dst = out_hbm.at[
        pl.ds(c * _HALF_S + s * _ROWS_PER_TILE, _ROWS_PER_TILE)
    ]
    pltpu.sync_copy(src, dst)


def kernel(x, W1, b1, W2, b2):
    xc = jnp.transpose(x[:, :, :2], (0, 2, 1))
    spans = pl.pallas_call(
        _span_kernel,
        grid=(_B, _NC),
        in_specs=[pl.BlockSpec((1, 2, _C), lambda b, i: (b, 0, i))],
        out_specs=pl.BlockSpec((1, 1, 128), lambda b, i: (b, 0, 0)),
        out_shape=jax.ShapeDtypeStruct((_B, 1, 128), jnp.float32),
        scratch_shapes=[pltpu.SMEM((4,), jnp.float32)],
    )(xc)

    def encode(spans_h, x_h, xc_h):
        return pl.pallas_call(
            _encode_kernel,
            grid=(_BH, _NC),
            in_specs=[
                pl.BlockSpec((1, 1, 128), lambda b, i: (b, 0, 0)),
                pl.BlockSpec((1, _C, _D), lambda b, i: (b, i, 0)),
                pl.BlockSpec((1, 2, _C), lambda b, i: (b, 0, i)),
                pl.BlockSpec((_D, _H), lambda b, i: (0, 0)),
                pl.BlockSpec((1, _H), lambda b, i: (0, 0)),
                pl.BlockSpec((_H, _H), lambda b, i: (0, 0)),
                pl.BlockSpec((1, _H), lambda b, i: (0, 0)),
            ],
            out_specs=[
                pl.BlockSpec((_C, _W), lambda b, i: (b * _NC + i, 0)),
                pl.BlockSpec((1, 1, _C), lambda b, i: (b * _NC + i, 0, 0)),
            ],
            out_shape=[
                jax.ShapeDtypeStruct((_BNH, _W), jnp.float32),
                jax.ShapeDtypeStruct((_BH * _NC, 1, _C), jnp.int32),
            ],
        )(spans_h, x_h, xc_h, W1, b1.reshape(1, _H), W2, b2.reshape(1, _H))

    zeros = jnp.zeros((_ROWS_PER_TILE, _W), jnp.float32)
    sc_fn = pl.kernel(
        _sc_segment_sum,
        out_type=jax.ShapeDtypeStruct((_BH * _S, _W), jnp.float32),
        mesh=plsc.VectorSubcoreMesh(
            core_axis_name="c", subcore_axis_name="s"
        ),
        scratch_types=[
            pltpu.VMEM((_K,), jnp.int32),
            pltpu.VMEM((_K,), jnp.int32),
            pltpu.VMEM((_K, _W), jnp.float32),
            pltpu.VMEM((_K, _W), jnp.float32),
            pltpu.VMEM_SHARED((_HALF_S, _W), jnp.float32),
            pltpu.SemaphoreType.DMA,
            pltpu.SemaphoreType.DMA,
        ],
    )

    phi0, seg0 = encode(spans[:_BH], x[:_BH], xc[:_BH])
    phi1, seg1 = encode(spans[_BH:], x[_BH:], xc[_BH:])
    lat0 = sc_fn(phi0, seg0.reshape(_BNH), zeros)
    lat1 = sc_fn(phi1, seg1.reshape(_BNH), zeros)
    latent = jnp.concatenate([lat0, lat1], axis=0)
    return latent[:, :_H].reshape(_B, _GH, _GW, _H)

# --- scband reference (transcript-rebuilt; emitter-appended) ---
"""Pipeline reference for scband-convolutional-encoder-25769804001 (READ-ONLY COPY).

The authoritative reference and input builder live on the scoring server;
editing this copy changes nothing except your own understanding.
"""

import jax, jax.numpy as jnp
import numpy as np

B, N, D, H = 8, 65536, 7, 64
GH, GW = 32, 32


def setup_inputs(seed: int = 0) -> dict:
    key = jax.random.key(seed)
    ks = jax.random.split(key, 5)
    x = jax.random.normal(ks[0], (B, N, D), dtype=jnp.float32)
    W1 = jax.random.normal(ks[1], (D, H), dtype=jnp.float32) * (1.0 / np.sqrt(D))
    b1 = jnp.zeros((H,), dtype=jnp.float32)
    W2 = jax.random.normal(ks[2], (H, H), dtype=jnp.float32) * (1.0 / np.sqrt(H))
    b2 = jnp.zeros((H,), dtype=jnp.float32)
    return {"x": x, "W1": W1, "b1": b1, "W2": W2, "b2": b2}


def reference(x, W1, b1, W2, b2):
    # divide_bins: normalize first two coords per batch, bin into GHxGW grid,
    # and for each cell apply DeepSetEncoder (MLP per point + sum pool).
    # Since pool='sum', cell latent == segment-sum of per-point MLP outputs.
    x_min = jnp.min(x[:, :, 0], axis=1, keepdims=True)
    x_max = jnp.max(x[:, :, 0], axis=1, keepdims=True)
    y_min = jnp.min(x[:, :, 1], axis=1, keepdims=True)
    y_max = jnp.max(x[:, :, 1], axis=1, keepdims=True)
    x_span = jnp.maximum(x_max - x_min, 1e-08)
    y_span = jnp.maximum(y_max - y_min, 1e-08)
    x_norm = (x[:, :, 0] - x_min) / x_span
    y_norm = (x[:, :, 1] - y_min) / y_span
    gx = jnp.clip((x_norm * GH).astype(jnp.int32), 0, GH - 1)
    gy = jnp.clip((y_norm * GW).astype(jnp.int32), 0, GW - 1)
    # per-point MLP (Linear -> ReLU -> Linear)
    phi = jnp.maximum(x @ W1 + b1, 0.0) @ W2 + b2  # [B, N, H]
    batch_ids = jnp.arange(B, dtype=jnp.int32)[:, None]
    seg = (batch_ids * (GH * GW) + gx * GW + gy).reshape(-1)
    flat = phi.reshape(B * N, H)
    latent = jax.ops.segment_sum(flat, seg, num_segments=B * GH * GW)
    return latent.reshape(B, GH, GW, H)

if __name__ == "__main__":
    import jax
    _d = setup_inputs()
    print(jax.jit(kernel)(*tuple(_d.values())))

</pallas_src>

<mosaic_0001>
#map = affine_map<(d0, d1) -> (0, 0)>
#map1 = affine_map<(d0, d1) -> (0)>
module attributes {stable_mosaic.version = 14 : i64} {
  func.func @_sc_segment_sum(%arg0: i32, %arg1: i32, %arg2: memref<262144x128xf32, #tpu.memory_space<hbm>>, %arg3: memref<262144xi32, #tpu.memory_space<hbm>>, %arg4: memref<128x128xf32, #tpu.memory_space<hbm>>, %arg5: memref<4096x128xf32, #tpu.memory_space<hbm>>, %arg6: memref<128xi32, #tpu.memory_space<vmem>>, %arg7: memref<128xi32, #tpu.memory_space<vmem>>, %arg8: memref<128x128xf32, #tpu.memory_space<vmem>>, %arg9: memref<128x128xf32, #tpu.memory_space<vmem>>, %arg10: memref<2048x128xf32, #tpu.memory_space<vmem_shared>>, %arg11: memref<!tpu.dma_semaphore, #tpu.memory_space<semaphore_mem>>, %arg12: memref<!tpu.dma_semaphore, #tpu.memory_space<semaphore_mem>>) attributes {dimension_semantics = [#tpu.dimension_semantics<core_parallel>, #tpu.dimension_semantics<subcore_parallel>], iteration_bounds = array<i64: 2, 16>, scalar_prefetch = 0 : i64, scratch_operands = 7 : i64, tpu.core_type = #tpu.core_type<sc_vector_subcore>, window_params = [{transform_indices = #map}, {transform_indices = #map1}, {transform_indices = #map}, {transform_indices = #map}]} {
    %mul3A = arith.constant 131072 : i32
    %mul3A_0 = arith.muli %arg0, %mul3A : i32
    %mul3A_1 = arith.constant 8192 : i32
    %mul3A_2 = arith.muli %arg1, %mul3A_1 : i32
    %add3A = arith.addi %mul3A_0, %mul3A_2 : i32
    %dma_start3A = tpu.memref_slice %arg3[%add3A] : memref<262144xi32, #tpu.memory_space<hbm>> -> memref<128xi32, #tpu.memory_space<hbm>>
    %dma_start3A_3 = tpu.memref_slice %arg3[%add3A] : memref<262144xi32, #tpu.memory_space<hbm>> -> memref<128xi32, #tpu.memory_space<hbm>>
    tpu.enqueue_dma source(%dma_start3A_3 : memref<128xi32, #tpu.memory_space<hbm>>) target(%arg6 : memref<128xi32, #tpu.memory_space<vmem>>) target_semaphore(%arg11 : memref<!tpu.dma_semaphore, #tpu.memory_space<semaphore_mem>>)
    %dma_start3A_4 = arith.constant 0 : i32
    %dma_start3A_5 = tpu.memref_slice %arg2[%add3A, %dma_start3A_4] : memref<262144x128xf32, #tpu.memory_space<hbm>> -> memref<128x128xf32, #tpu.memory_space<hbm>>
    %dma_start3A_6 = arith.constant 0 : i32
    %dma_start3A_7 = tpu.memref_slice %arg2[%add3A, %dma_start3A_6] : memref<262144x128xf32, #tpu.memory_space<hbm>> -> memref<128x128xf32, #tpu.memory_space<hbm>>
    tpu.enqueue_dma source(%dma_start3A_7 : memref<128x128xf32, #tpu.memory_space<hbm>>) target(%arg8 : memref<128x128xf32, #tpu.memory_space<vmem>>) target_semaphore(%arg11 : memref<!tpu.dma_semaphore, #tpu.memory_space<semaphore_mem>>)
    %mul3A_8 = arith.constant 128 : i32
    %mul3A_9 = arith.muli %arg1, %mul3A_8 : i32
    "tpu.region"() ({
      %run_scoped3A = tpu.sem_alloc : memref<!tpu.dma_semaphore, #tpu.memory_space<semaphore_mem>>
      %dma_start3A_31 = arith.constant 0 : i32
      %dma_start3A_32 = tpu.memref_slice %arg10[%mul3A_9, %dma_start3A_31] : memref<2048x128xf32, #tpu.memory_space<vmem_shared>> -> memref<128x128xf32, #tpu.memory_space<vmem_shared>>
      tpu.enqueue_dma source(%arg4 : memref<128x128xf32, #tpu.memory_space<hbm>>) target(%dma_start3A_32 : memref<128x128xf32, #tpu.memory_space<vmem_shared>>) target_semaphore(%run_scoped3A : memref<!tpu.dma_semaphore, #tpu.memory_space<semaphore_mem>>)
      %dma_wait3A_33 = arith.constant 0 : i32
      %dma_wait3A_34 = tpu.memref_slice %arg10[%mul3A_9, %dma_wait3A_33] : memref<2048x128xf32, #tpu.memory_space<vmem_shared>> -> memref<128x128xf32, #tpu.memory_space<vmem_shared>>
      tpu.wait_dma2 semaphore(%run_scoped3A : memref<!tpu.dma_semaphore, #tpu.memory_space<semaphore_mem>>) src(%arg4 : memref<128x128xf32, #tpu.memory_space<hbm>>) dst(%dma_wait3A_34 : memref<128x128xf32, #tpu.memory_space<vmem_shared>>)
      tpu.yield
    }) : () -> ()
    %barrier3A = arith.constant 0 : index
    tpu.barrier barrier_id(%barrier3A)
    %add3A_10 = arith.constant 8192 : i32
    %add3A_11 = arith.addi %add3A, %add3A_10 : i32
    %sub3A = arith.constant 128 : i32
    %sub3A_12 = arith.subi %add3A_11, %sub3A : i32
    %scan3A = arith.constant 0 : i32
    %scan3A_13 = arith.constant 0 : i32
    %scan3A_14 = arith.constant 32 : i32
    %scan3A_15 = arith.addi %scan3A_13, %scan3A_14 : i32
    %scan3A_16 = arith.constant 1 : i32
    scf.for %scan3A_31 = %scan3A_13 to %scan3A_15 step %scan3A_16  : i32 {
      %mul3A_32 = arith.constant 2 : i32
      %mul3A_33 = arith.muli %mul3A_32, %scan3A_31 : i32
      %mul3A_34 = arith.constant 128 : i32
      %mul3A_35 = arith.muli %mul3A_33, %mul3A_34 : i32
      %add3A_36 = arith.addi %add3A, %mul3A_35 : i32
      %add3A_37 = arith.constant 128 : i32
      %add3A_38 = arith.addi %add3A_36, %add3A_37 : i32
      %add3A_39 = arith.constant 128 : i32
      %add3A_40 = arith.addi %add3A_38, %add3A_39 : i32
      %min3A = arith.minsi %add3A_40, %sub3A_12 : i32
      %dma_start3A_41 = tpu.memref_slice %arg3[%add3A_38] : memref<262144xi32, #tpu.memory_space<hbm>> -> memref<128xi32, #tpu.memory_space<hbm>>
      %dma_start3A_42 = tpu.memref_slice %arg3[%add3A_38] : memref<262144xi32, #tpu.memory_space<hbm>> -> memref<128xi32, #tpu.memory_space<hbm>>
      tpu.enqueue_dma source(%dma_start3A_42 : memref<128xi32, #tpu.memory_space<hbm>>) target(%arg7 : memref<128xi32, #tpu.memory_space<vmem>>) target_semaphore(%arg12 : memref<!tpu.dma_semaphore, #tpu.memory_space<semaphore_mem>>)
      %dma_start3A_43 = arith.constant 0 : i32
      %dma_start3A_44 = tpu.memref_slice %arg2[%add3A_38, %dma_start3A_43] : memref<262144x128xf32, #tpu.memory_space<hbm>> -> memref<128x128xf32, #tpu.memory_space<hbm>>
      %dma_start3A_45 = arith.constant 0 : i32
      %dma_start3A_46 = tpu.memref_slice %arg2[%add3A_38, %dma_start3A_45] : memref<262144x128xf32, #tpu.memory_space<hbm>> -> memref<128x128xf32, #tpu.memory_space<hbm>>
      tpu.enqueue_dma source(%dma_start3A_46 : memref<128x128xf32, #tpu.memory_space<hbm>>) target(%arg9 : memref<128x128xf32, #tpu.memory_space<vmem>>) target_semaphore(%arg12 : memref<!tpu.dma_semaphore, #tpu.memory_space<semaphore_mem>>)
      %dma_wait3A_47 = tpu.memref_slice %arg3[%add3A_36] : memref<262144xi32, #tpu.memory_space<hbm>> -> memref<128xi32, #tpu.memory_space<hbm>>
      %dma_wait3A_48 = tpu.memref_slice %arg3[%add3A_36] : memref<262144xi32, #tpu.memory_space<hbm>> -> memref<128xi32, #tpu.memory_space<hbm>>
      tpu.wait_dma2 semaphore(%arg11 : memref<!tpu.dma_semaphore, #tpu.memory_space<semaphore_mem>>) src(%dma_wait3A_48 : memref<128xi32, #tpu.memory_space<hbm>>) dst(%arg6 : memref<128xi32, #tpu.memory_space<vmem>>)
      %dma_wait3A_49 = arith.constant 0 : i32
      %dma_wait3A_50 = tpu.memref_slice %arg2[%add3A_36, %dma_wait3A_49] : memref<262144x128xf32, #tpu.memory_space<hbm>> -> memref<128x128xf32, #tpu.memory_space<hbm>>
      %dma_wait3A_51 = arith.constant 0 : i32
      %dma_wait3A_52 = tpu.memref_slice %arg2[%add3A_36, %dma_wait3A_51] : memref<262144x128xf32, #tpu.memory_space<hbm>> -> memref<128x128xf32, #tpu.memory_space<hbm>>
      tpu.wait_dma2 semaphore(%arg11 : memref<!tpu.dma_semaphore, #tpu.memory_space<semaphore_mem>>) src(%dma_wait3A_52 : memref<128x128xf32, #tpu.memory_space<hbm>>) dst(%arg8 : memref<128x128xf32, #tpu.memory_space<vmem>>)
      "tpu.region"() ({
        %run_scoped3A = tpu.sem_alloc : memref<!tpu.dma_semaphore, #tpu.memory_space<semaphore_mem>>
        %dma_start3A_65 = arith.constant 0 : i32
        %dma_start3A_66 = arith.constant 0 : i32
        %dma_start3A_67 = tpu.memref_slice %arg10[%dma_start3A_65, %dma_start3A_66] : memref<2048x128xf32, #tpu.memory_space<vmem_shared>> -> memref<2048x128xf32, #tpu.memory_space<vmem_shared>>
        tpu.enqueue_indirect_dma source(%arg8 : memref<128x128xf32, #tpu.memory_space<vmem>>) target(%dma_start3A_67 : memref<2048x128xf32, #tpu.memory_space<vmem_shared>>) offsets(%arg6 : memref<128xi32, #tpu.memory_space<vmem>>) semaphore(%run_scoped3A : memref<!tpu.dma_semaphore, #tpu.memory_space<semaphore_mem>>) {add = true}
        %dma_wait3A_68 = arith.constant 0 : i32
        %dma_wait3A_69 = arith.constant 0 : i32
        %dma_wait3A_70 = tpu.memref_slice %arg10[%dma_wait3A_68, %dma_wait3A_69] : memref<2048x128xf32, #tpu.memory_space<vmem_shared>> -> memref<2048x128xf32, #tpu.memory_space<vmem_shared>>
        tpu.wait_indirect_dma semaphore(%run_scoped3A : memref<!tpu.dma_semaphore, #tpu.memory_space<semaphore_mem>>) src(%arg8 : memref<128x128xf32, #tpu.memory_space<vmem>>) dst(%dma_wait3A_70 : memref<2048x128xf32, #tpu.memory_space<vmem_shared>>)
        tpu.yield
      }) : () -> ()
      %dma_start3A_53 = tpu.memref_slice %arg3[%min3A] : memref<262144xi32, #tpu.memory_space<hbm>> -> memref<128xi32, #tpu.memory_space<hbm>>
      %dma_start3A_54 = tpu.memref_slice %arg3[%min3A] : memref<262144xi32, #tpu.memory_space<hbm>> -> memref<128xi32, #tpu.memory_space<hbm>>
      tpu.enqueue_dma source(%dma_start3A_54 : memref<128xi32, #tpu.memory_space<hbm>>) target(%arg6 : memref<128xi32, #tpu.memory_space<vmem>>) target_semaphore(%arg11 : memref<!tpu.dma_semaphore, #tpu.memory_space<semaphore_mem>>)
      %dma_start3A_55 = arith.constant 0 : i32
      %dma_start3A_56 = tpu.memref_slice %arg2[%min3A, %dma_start3A_55] : memref<262144x128xf32, #tpu.memory_space<hbm>> -> memref<128x128xf32, #tpu.memory_space<hbm>>
      %dma_start3A_57 = arith.constant 0 : i32
      %dma_start3A_58 = tpu.memref_slice %arg2[%min3A, %dma_start3A_57] : memref<262144x128xf32, #tpu.memory_space<hbm>> -> memref<128x128xf32, #tpu.memory_space<hbm>>
      tpu.enqueue_dma source(%dma_start3A_58 : memref<128x128xf32, #tpu.memory_space<hbm>>) target(%arg8 : memref<128x128xf32, #tpu.memory_space<vmem>>) target_semaphore(%arg11 : memref<!tpu.dma_semaphore, #tpu.memory_space<semaphore_mem>>)
      %dma_wait3A_59 = tpu.memref_slice %arg3[%add3A_38] : memref<262144xi32, #tpu.memory_space<hbm>> -> memref<128xi32, #tpu.memory_space<hbm>>
      %dma_wait3A_60 = tpu.memref_slice %arg3[%add3A_38] : memref<262144xi32, #tpu.memory_space<hbm>> -> memref<128xi32, #tpu.memory_space<hbm>>
      tpu.wait_dma2 semaphore(%arg12 : memref<!tpu.dma_semaphore, #tpu.memory_space<semaphore_mem>>) src(%dma_wait3A_60 : memref<128xi32, #tpu.memory_space<hbm>>) dst(%arg7 : memref<128xi32, #tpu.memory_space<vmem>>)
      %dma_wait3A_61 = arith.constant 0 : i32
      %dma_wait3A_62 = tpu.memref_slice %arg2[%add3A_38, %dma_wait3A_61] : memref<262144x128xf32, #tpu.memory_space<hbm>> -> memref<128x128xf32, #tpu.memory_space<hbm>>
      %dma_wait3A_63 = arith.constant 0 : i32
      %dma_wait3A_64 = tpu.memref_slice %arg2[%add3A_38, %dma_wait3A_63] : memref<262144x128xf32, #tpu.memory_space<hbm>> -> memref<128x128xf32, #tpu.memory_space<hbm>>
      tpu.wait_dma2 semaphore(%arg12 : memref<!tpu.dma_semaphore, #tpu.memory_space<semaphore_mem>>) src(%dma_wait3A_64 : memref<128x128xf32, #tpu.memory_space<hbm>>) dst(%arg9 : memref<128x128xf32, #tpu.memory_space<vmem>>)
      "tpu.region"() ({
        %run_scoped3A = tpu.sem_alloc : memref<!tpu.dma_semaphore, #tpu.memory_space<semaphore_mem>>
        %dma_start3A_65 = arith.constant 0 : i32
        %dma_start3A_66 = arith.constant 0 : i32
        %dma_start3A_67 = tpu.memref_slice %arg10[%dma_start3A_65, %dma_start3A_66] : memref<2048x128xf32, #tpu.memory_space<vmem_shared>> -> memref<2048x128xf32, #tpu.memory_space<vmem_shared>>
        tpu.enqueue_indirect_dma source(%arg9 : memref<128x128xf32, #tpu.memory_space<vmem>>) target(%dma_start3A_67 : memref<2048x128xf32, #tpu.memory_space<vmem_shared>>) offsets(%arg7 : memref<128xi32, #tpu.memory_space<vmem>>) semaphore(%run_scoped3A : memref<!tpu.dma_semaphore, #tpu.memory_space<semaphore_mem>>) {add = true}
        %dma_wait3A_68 = arith.constant 0 : i32
        %dma_wait3A_69 = arith.constant 0 : i32
        %dma_wait3A_70 = tpu.memref_slice %arg10[%dma_wait3A_68, %dma_wait3A_69] : memref<2048x128xf32, #tpu.memory_space<vmem_shared>> -> memref<2048x128xf32, #tpu.memory_space<vmem_shared>>
        tpu.wait_indirect_dma semaphore(%run_scoped3A : memref<!tpu.dma_semaphore, #tpu.memory_space<semaphore_mem>>) src(%arg9 : memref<128x128xf32, #tpu.memory_space<vmem>>) dst(%dma_wait3A_70 : memref<2048x128xf32, #tpu.memory_space<vmem_shared>>)
        tpu.yield
      }) : () -> ()
    }
    %scan3A_17 = arith.constant 32 : i32
    %dma_wait3A = tpu.memref_slice %arg3[%sub3A_12] : memref<262144xi32, #tpu.memory_space<hbm>> -> memref<128xi32, #tpu.memory_space<hbm>>
    %dma_wait3A_18 = tpu.memref_slice %arg3[%sub3A_12] : memref<262144xi32, #tpu.memory_space<hbm>> -> memref<128xi32, #tpu.memory_space<hbm>>
    tpu.wait_dma2 semaphore(%arg11 : memref<!tpu.dma_semaphore, #tpu.memory_space<semaphore_mem>>) src(%dma_wait3A_18 : memref<128xi32, #tpu.memory_space<hbm>>) dst(%arg6 : memref<128xi32, #tpu.memory_space<vmem>>)
    %dma_wait3A_19 = arith.constant 0 : i32
    %dma_wait3A_20 = tpu.memref_slice %arg2[%sub3A_12, %dma_wait3A_19] : memref<262144x128xf32, #tpu.memory_space<hbm>> -> memref<128x128xf32, #tpu.memory_space<hbm>>
    %dma_wait3A_21 = arith.constant 0 : i32
    %dma_wait3A_22 = tpu.memref_slice %arg2[%sub3A_12, %dma_wait3A_21] : memref<262144x128xf32, #tpu.memory_space<hbm>> -> memref<128x128xf32, #tpu.memory_space<hbm>>
    tpu.wait_dma2 semaphore(%arg11 : memref<!tpu.dma_semaphore, #tpu.memory_space<semaphore_mem>>) src(%dma_wait3A_22 : memref<128x128xf32, #tpu.memory_space<hbm>>) dst(%arg8 : memref<128x128xf32, #tpu.memory_space<vmem>>)
    %barrier3A_23 = arith.constant 0 : index
    tpu.barrier barrier_id(%barrier3A_23)
    %mul3A_24 = arith.constant 128 : i32
    %mul3A_25 = arith.muli %arg1, %mul3A_24 : i32
    %mul3A_26 = arith.constant 2048 : i32
    %mul3A_27 = arith.muli %arg0, %mul3A_26 : i32
    %mul3A_28 = arith.constant 128 : i32
    %mul3A_29 = arith.muli %arg1, %mul3A_28 : i32
    %add3A_30 = arith.addi %mul3A_27, %mul3A_29 : i32
    "tpu.region"() ({
      %run_scoped3A = tpu.sem_alloc : memref<!tpu.dma_semaphore, #tpu.memory_space<semaphore_mem>>
      %dma_start3A_31 = arith.constant 0 : i32
      %dma_start3A_32 = tpu.memref_slice %arg5[%add3A_30, %dma_start3A_31] : memref<4096x128xf32, #tpu.memory_space<hbm>> -> memref<128x128xf32, #tpu.memory_space<hbm>>
      %dma_start3A_33 = arith.constant 0 : i32
      %dma_start3A_34 = tpu.memref_slice %arg10[%mul3A_25, %dma_start3A_33] : memref<2048x128xf32, #tpu.memory_space<vmem_shared>> -> memref<128x128xf32, #tpu.memory_space<vmem_shared>>
      tpu.enqueue_dma source(%dma_start3A_34 : memref<128x128xf32, #tpu.memory_space<vmem_shared>>) target(%dma_start3A_32 : memref<128x128xf32, #tpu.memory_space<hbm>>) target_semaphore(%run_scoped3A : memref<!tpu.dma_semaphore, #tpu.memory_space<semaphore_mem>>)
      %dma_wait3A_35 = arith.constant 0 : i32
      %dma_wait3A_36 = tpu.memref_slice %arg5[%add3A_30, %dma_wait3A_35] : memref<4096x128xf32, #tpu.memory_space<hbm>> -> memref<128x128xf32, #tpu.memory_space<hbm>>
      %dma_wait3A_37 = arith.constant 0 : i32
      %dma_wait3A_38 = tpu.memref_slice %arg10[%mul3A_25, %dma_wait3A_37] : memref<2048x128xf32, #tpu.memory_space<vmem_shared>> -> memref<128x128xf32, #tpu.memory_space<vmem_shared>>
      tpu.wait_dma2 semaphore(%run_scoped3A : memref<!tpu.dma_semaphore, #tpu.memory_space<semaphore_mem>>) src(%dma_wait3A_38 : memref<128x128xf32, #tpu.memory_space<vmem_shared>>) dst(%dma_wait3A_36 : memref<128x128xf32, #tpu.memory_space<hbm>>)
      tpu.yield
    }) : () -> ()
    return
  }
}

#map = affine_map<(d0, d1) -> (0, 0)>
#map1 = affine_map<(d0, d1) -> (0)>
module attributes {stable_mosaic.version = 14 : i64} {
  func.func @_sc_segment_sum(%arg0: i32, %arg1: i32, %arg2: memref<262144x128xf32, #tpu.memory_space<hbm>>, %arg3: memref<262144xi32, #tpu.memory_space<hbm>>, %arg4: memref<128x128xf32, #tpu.memory_space<hbm>>, %arg5: memref<4096x128xf32, #tpu.memory_space<hbm>>, %arg6: memref<128xi32, #tpu.memory_space<vmem>>, %arg7: memref<128xi32, #tpu.memory_space<vmem>>, %arg8: memref<128x128xf32, #tpu.memory_space<vmem>>, %arg9: memref<128x128xf32, #tpu.memory_space<vmem>>, %arg10: memref<2048x128xf32, #tpu.memory_space<vmem_shared>>, %arg11: memref<!tpu.dma_semaphore, #tpu.memory_space<semaphore_mem>>, %arg12: memref<!tpu.dma_semaphore, #tpu.memory_space<semaphore_mem>>) attributes {dimension_semantics = [#tpu.dimension_semantics<core_parallel>, #tpu.dimension_semantics<subcore_parallel>], iteration_bounds = array<i64: 2, 16>, scalar_prefetch = 0 : i64, scratch_operands = 7 : i64, tpu.core_type = #tpu.core_type<sc_vector_subcore>, window_params = [{transform_indices = #map}, {transform_indices = #map1}, {transform_indices = #map}, {transform_indices = #map}]} {
    %mul3A = arith.constant 131072 : i32
    %mul3A_0 = arith.muli %arg0, %mul3A : i32
    %mul3A_1 = arith.constant 8192 : i32
    %mul3A_2 = arith.muli %arg1, %mul3A_1 : i32
    %add3A = arith.addi %mul3A_0, %mul3A_2 : i32
    %dma_start3A = tpu.memref_slice %arg3[%add3A] : memref<262144xi32, #tpu.memory_space<hbm>> -> memref<128xi32, #tpu.memory_space<hbm>>
    %dma_start3A_3 = tpu.memref_slice %arg3[%add3A] : memref<262144xi32, #tpu.memory_space<hbm>> -> memref<128xi32, #tpu.memory_space<hbm>>
    tpu.enqueue_dma source(%dma_start3A_3 : memref<128xi32, #tpu.memory_space<hbm>>) target(%arg6 : memref<128xi32, #tpu.memory_space<vmem>>) target_semaphore(%arg11 : memref<!tpu.dma_semaphore, #tpu.memory_space<semaphore_mem>>)
    %dma_start3A_4 = arith.constant 0 : i32
    %dma_start3A_5 = tpu.memref_slice %arg2[%add3A, %dma_start3A_4] : memref<262144x128xf32, #tpu.memory_space<hbm>> -> memref<128x128xf32, #tpu.memory_space<hbm>>
    %dma_start3A_6 = arith.constant 0 : i32
    %dma_start3A_7 = tpu.memref_slice %arg2[%add3A, %dma_start3A_6] : memref<262144x128xf32, #tpu.memory_space<hbm>> -> memref<128x128xf32, #tpu.memory_space<hbm>>
    tpu.enqueue_dma source(%dma_start3A_7 : memref<128x128xf32, #tpu.memory_space<hbm>>) target(%arg8 : memref<128x128xf32, #tpu.memory_space<vmem>>) target_semaphore(%arg11 : memref<!tpu.dma_semaphore, #tpu.memory_space<semaphore_mem>>)
    %mul3A_8 = arith.constant 128 : i32
    %mul3A_9 = arith.muli %arg1, %mul3A_8 : i32
    "tpu.region"() ({
      %run_scoped3A = tpu.sem_alloc : memref<!tpu.dma_semaphore, #tpu.memory_space<semaphore_mem>>
      %dma_start3A_31 = arith.constant 0 : i32
      %dma_start3A_32 = tpu.memref_slice %arg10[%mul3A_9, %dma_start3A_31] : memref<2048x128xf32, #tpu.memory_space<vmem_shared>> -> memref<128x128xf32, #tpu.memory_space<vmem_shared>>
      tpu.enqueue_dma source(%arg4 : memref<128x128xf32, #tpu.memory_space<hbm>>) target(%dma_start3A_32 : memref<128x128xf32, #tpu.memory_space<vmem_shared>>) target_semaphore(%run_scoped3A : memref<!tpu.dma_semaphore, #tpu.memory_space<semaphore_mem>>)
      %dma_wait3A_33 = arith.constant 0 : i32
      %dma_wait3A_34 = tpu.memref_slice %arg10[%mul3A_9, %dma_wait3A_33] : memref<2048x128xf32, #tpu.memory_space<vmem_shared>> -> memref<128x128xf32, #tpu.memory_space<vmem_shared>>
      tpu.wait_dma2 semaphore(%run_scoped3A : memref<!tpu.dma_semaphore, #tpu.memory_space<semaphore_mem>>) src(%arg4 : memref<128x128xf32, #tpu.memory_space<hbm>>) dst(%dma_wait3A_34 : memref<128x128xf32, #tpu.memory_space<vmem_shared>>)
      tpu.yield
    }) : () -> ()
    %barrier3A = arith.constant 0 : index
    tpu.barrier barrier_id(%barrier3A)
    %add3A_10 = arith.constant 8192 : i32
    %add3A_11 = arith.addi %add3A, %add3A_10 : i32
    %sub3A = arith.constant 128 : i32
    %sub3A_12 = arith.subi %add3A_11, %sub3A : i32
    %scan3A = arith.constant 0 : i32
    %scan3A_13 = arith.constant 0 : i32
    %scan3A_14 = arith.constant 32 : i32
    %scan3A_15 = arith.addi %scan3A_13, %scan3A_14 : i32
    %scan3A_16 = arith.constant 1 : i32
    scf.for %scan3A_31 = %scan3A_13 to %scan3A_15 step %scan3A_16  : i32 {
      %mul3A_32 = arith.constant 2 : i32
      %mul3A_33 = arith.muli %mul3A_32, %scan3A_31 : i32
      %mul3A_34 = arith.constant 128 : i32
      %mul3A_35 = arith.muli %mul3A_33, %mul3A_34 : i32
      %add3A_36 = arith.addi %add3A, %mul3A_35 : i32
      %add3A_37 = arith.constant 128 : i32
      %add3A_38 = arith.addi %add3A_36, %add3A_37 : i32
      %add3A_39 = arith.constant 128 : i32
      %add3A_40 = arith.addi %add3A_38, %add3A_39 : i32
      %min3A = arith.minsi %add3A_40, %sub3A_12 : i32
      %dma_start3A_41 = tpu.memref_slice %arg3[%add3A_38] : memref<262144xi32, #tpu.memory_space<hbm>> -> memref<128xi32, #tpu.memory_space<hbm>>
      %dma_start3A_42 = tpu.memref_slice %arg3[%add3A_38] : memref<262144xi32, #tpu.memory_space<hbm>> -> memref<128xi32, #tpu.memory_space<hbm>>
      tpu.enqueue_dma source(%dma_start3A_42 : memref<128xi32, #tpu.memory_space<hbm>>) target(%arg7 : memref<128xi32, #tpu.memory_space<vmem>>) target_semaphore(%arg12 : memref<!tpu.dma_semaphore, #tpu.memory_space<semaphore_mem>>)
      %dma_start3A_43 = arith.constant 0 : i32
      %dma_start3A_44 = tpu.memref_slice %arg2[%add3A_38, %dma_start3A_43] : memref<262144x128xf32, #tpu.memory_space<hbm>> -> memref<128x128xf32, #tpu.memory_space<hbm>>
      %dma_start3A_45 = arith.constant 0 : i32
      %dma_start3A_46 = tpu.memref_slice %arg2[%add3A_38, %dma_start3A_45] : memref<262144x128xf32, #tpu.memory_space<hbm>> -> memref<128x128xf32, #tpu.memory_space<hbm>>
      tpu.enqueue_dma source(%dma_start3A_46 : memref<128x128xf32, #tpu.memory_space<hbm>>) target(%arg9 : memref<128x128xf32, #tpu.memory_space<vmem>>) target_semaphore(%arg12 : memref<!tpu.dma_semaphore, #tpu.memory_space<semaphore_mem>>)
      %dma_wait3A_47 = tpu.memref_slice %arg3[%add3A_36] : memref<262144xi32, #tpu.memory_space<hbm>> -> memref<128xi32, #tpu.memory_space<hbm>>
      %dma_wait3A_48 = tpu.memref_slice %arg3[%add3A_36] : memref<262144xi32, #tpu.memory_space<hbm>> -> memref<128xi32, #tpu.memory_space<hbm>>
      tpu.wait_dma2 semaphore(%arg11 : memref<!tpu.dma_semaphore, #tpu.memory_space<semaphore_mem>>) src(%dma_wait3A_48 : memref<128xi32, #tpu.memory_space<hbm>>) dst(%arg6 : memref<128xi32, #tpu.memory_space<vmem>>)
      %dma_wait3A_49 = arith.constant 0 : i32
      %dma_wait3A_50 = tpu.memref_slice %arg2[%add3A_36, %dma_wait3A_49] : memref<262144x128xf32, #tpu.memory_space<hbm>> -> memref<128x128xf32, #tpu.memory_space<hbm>>
      %dma_wait3A_51 = arith.constant 0 : i32
      %dma_wait3A_52 = tpu.memref_slice %arg2[%add3A_36, %dma_wait3A_51] : memref<262144x128xf32, #tpu.memory_space<hbm>> -> memref<128x128xf32, #tpu.memory_space<hbm>>
      tpu.wait_dma2 semaphore(%arg11 : memref<!tpu.dma_semaphore, #tpu.memory_space<semaphore_mem>>) src(%dma_wait3A_52 : memref<128x128xf32, #tpu.memory_space<hbm>>) dst(%arg8 : memref<128x128xf32, #tpu.memory_space<vmem>>)
      "tpu.region"() ({
        %run_scoped3A = tpu.sem_alloc : memref<!tpu.dma_semaphore, #tpu.memory_space<semaphore_mem>>
        %dma_start3A_65 = arith.constant 0 : i32
        %dma_start3A_66 = arith.constant 0 : i32
        %dma_start3A_67 = tpu.memref_slice %arg10[%dma_start3A_65, %dma_start3A_66] : memref<2048x128xf32, #tpu.memory_space<vmem_shared>> -> memref<2048x128xf32, #tpu.memory_space<vmem_shared>>
        tpu.enqueue_indirect_dma source(%arg8 : memref<128x128xf32, #tpu.memory_space<vmem>>) target(%dma_start3A_67 : memref<2048x128xf32, #tpu.memory_space<vmem_shared>>) offsets(%arg6 : memref<128xi32, #tpu.memory_space<vmem>>) semaphore(%run_scoped3A : memref<!tpu.dma_semaphore, #tpu.memory_space<semaphore_mem>>) {add = true}
        %dma_wait3A_68 = arith.constant 0 : i32
        %dma_wait3A_69 = arith.constant 0 : i32
        %dma_wait3A_70 = tpu.memref_slice %arg10[%dma_wait3A_68, %dma_wait3A_69] : memref<2048x128xf32, #tpu.memory_space<vmem_shared>> -> memref<2048x128xf32, #tpu.memory_space<vmem_shared>>
        tpu.wait_indirect_dma semaphore(%run_scoped3A : memref<!tpu.dma_semaphore, #tpu.memory_space<semaphore_mem>>) src(%arg8 : memref<128x128xf32, #tpu.memory_space<vmem>>) dst(%dma_wait3A_70 : memref<2048x128xf32, #tpu.memory_space<vmem_shared>>)
        tpu.yield
      }) : () -> ()
      %dma_start3A_53 = tpu.memref_slice %arg3[%min3A] : memref<262144xi32, #tpu.memory_space<hbm>> -> memref<128xi32, #tpu.memory_space<hbm>>
      %dma_start3A_54 = tpu.memref_slice %arg3[%min3A] : memref<262144xi32, #tpu.memory_space<hbm>> -> memref<128xi32, #tpu.memory_space<hbm>>
      tpu.enqueue_dma source(%dma_start3A_54 : memref<128xi32, #tpu.memory_space<hbm>>) target(%arg6 : memref<128xi32, #tpu.memory_space<vmem>>) target_semaphore(%arg11 : memref<!tpu.dma_semaphore, #tpu.memory_space<semaphore_mem>>)
      %dma_start3A_55 = arith.constant 0 : i32
      %dma_start3A_56 = tpu.memref_slice %arg2[%min3A, %dma_start3A_55] : memref<262144x128xf32, #tpu.memory_space<hbm>> -> memref<128x128xf32, #tpu.memory_space<hbm>>
      %dma_start3A_57 = arith.constant 0 : i32
      %dma_start3A_58 = tpu.memref_slice %arg2[%min3A, %dma_start3A_57] : memref<262144x128xf32, #tpu.memory_space<hbm>> -> memref<128x128xf32, #tpu.memory_space<hbm>>
      tpu.enqueue_dma source(%dma_start3A_58 : memref<128x128xf32, #tpu.memory_space<hbm>>) target(%arg8 : memref<128x128xf32, #tpu.memory_space<vmem>>) target_semaphore(%arg11 : memref<!tpu.dma_semaphore, #tpu.memory_space<semaphore_mem>>)
      %dma_wait3A_59 = tpu.memref_slice %arg3[%add3A_38] : memref<262144xi32, #tpu.memory_space<hbm>> -> memref<128xi32, #tpu.memory_space<hbm>>
      %dma_wait3A_60 = tpu.memref_slice %arg3[%add3A_38] : memref<262144xi32, #tpu.memory_space<hbm>> -> memref<128xi32, #tpu.memory_space<hbm>>
      tpu.wait_dma2 semaphore(%arg12 : memref<!tpu.dma_semaphore, #tpu.memory_space<semaphore_mem>>) src(%dma_wait3A_60 : memref<128xi32, #tpu.memory_space<hbm>>) dst(%arg7 : memref<128xi32, #tpu.memory_space<vmem>>)
      %dma_wait3A_61 = arith.constant 0 : i32
      %dma_wait3A_62 = tpu.memref_slice %arg2[%add3A_38, %dma_wait3A_61] : memref<262144x128xf32, #tpu.memory_space<hbm>> -> memref<128x128xf32, #tpu.memory_space<hbm>>
      %dma_wait3A_63 = arith.constant 0 : i32
      %dma_wait3A_64 = tpu.memref_slice %arg2[%add3A_38, %dma_wait3A_63] : memref<262144x128xf32, #tpu.memory_space<hbm>> -> memref<128x128xf32, #tpu.memory_space<hbm>>
      tpu.wait_dma2 semaphore(%arg12 : memref<!tpu.dma_semaphore, #tpu.memory_space<semaphore_mem>>) src(%dma_wait3A_64 : memref<128x128xf32, #tpu.memory_space<hbm>>) dst(%arg9 : memref<128x128xf32, #tpu.memory_space<vmem>>)
      "tpu.region"() ({
        %run_scoped3A = tpu.sem_alloc : memref<!tpu.dma_semaphore, #tpu.memory_space<semaphore_mem>>
        %dma_start3A_65 = arith.constant 0 : i32
        %dma_start3A_66 = arith.constant 0 : i32
        %dma_start3A_67 = tpu.memref_slice %arg10[%dma_start3A_65, %dma_start3A_66] : memref<2048x128xf32, #tpu.memory_space<vmem_shared>> -> memref<2048x128xf32, #tpu.memory_space<vmem_shared>>
        tpu.enqueue_indirect_dma source(%arg9 : memref<128x128xf32, #tpu.memory_space<vmem>>) target(%dma_start3A_67 : memref<2048x128xf32, #tpu.memory_space<vmem_shared>>) offsets(%arg7 : memref<128xi32, #tpu.memory_space<vmem>>) semaphore(%run_scoped3A : memref<!tpu.dma_semaphore, #tpu.memory_space<semaphore_mem>>) {add = true}
        %dma_wait3A_68 = arith.constant 0 : i32
        %dma_wait3A_69 = arith.constant 0 : i32
        %dma_wait3A_70 = tpu.memref_slice %arg10[%dma_wait3A_68, %dma_wait3A_69] : memref<2048x128xf32, #tpu.memory_space<vmem_shared>> -> memref<2048x128xf32, #tpu.memory_space<vmem_shared>>
        tpu.wait_indirect_dma semaphore(%run_scoped3A : memref<!tpu.dma_semaphore, #tpu.memory_space<semaphore_mem>>) src(%arg9 : memref<128x128xf32, #tpu.memory_space<vmem>>) dst(%dma_wait3A_70 : memref<2048x128xf32, #tpu.memory_space<vmem_shared>>)
        tpu.yield
      }) : () -> ()
    }
    %scan3A_17 = arith.constant 32 : i32
    %dma_wait3A = tpu.memref_slice %arg3[%sub3A_12] : memref<262144xi32, #tpu.memory_space<hbm>> -> memref<128xi32, #tpu.memory_space<hbm>>
    %dma_wait3A_18 = tpu.memref_slice %arg3[%sub3A_12] : memref<262144xi32, #tpu.memory_space<hbm>> -> memref<128xi32, #tpu.memory_space<hbm>>
    tpu.wait_dma2 semaphore(%arg11 : memref<!tpu.dma_semaphore, #tpu.memory_space<semaphore_mem>>) src(%dma_wait3A_18 : memref<128xi32, #tpu.memory_space<hbm>>) dst(%arg6 : memref<128xi32, #tpu.memory_space<vmem>>)
    %dma_wait3A_19 = arith.constant 0 : i32
    %dma_wait3A_20 = tpu.memref_slice %arg2[%sub3A_12, %dma_wait3A_19] : memref<262144x128xf32, #tpu.memory_space<hbm>> -> memref<128x128xf32, #tpu.memory_space<hbm>>
    %dma_wait3A_21 = arith.constant 0 : i32
    %dma_wait3A_22 = tpu.memref_slice %arg2[%sub3A_12, %dma_wait3A_21] : memref<262144x128xf32, #tpu.memory_space<hbm>> -> memref<128x128xf32, #tpu.memory_space<hbm>>
    tpu.wait_dma2 semaphore(%arg11 : memref<!tpu.dma_semaphore, #tpu.memory_space<semaphore_mem>>) src(%dma_wait3A_22 : memref<128x128xf32, #tpu.memory_space<hbm>>) dst(%arg8 : memref<128x128xf32, #tpu.memory_space<vmem>>)
    %barrier3A_23 = arith.constant 0 : index
    tpu.barrier barrier_id(%barrier3A_23)
    %mul3A_24 = arith.constant 128 : i32
    %mul3A_25 = arith.muli %arg1, %mul3A_24 : i32
    %mul3A_26 = arith.constant 2048 : i32
    %mul3A_27 = arith.muli %arg0, %mul3A_26 : i32
    %mul3A_28 = arith.constant 128 : i32
    %mul3A_29 = arith.muli %arg1, %mul3A_28 : i32
    %add3A_30 = arith.addi %mul3A_27, %mul3A_29 : i32
    "tpu.region"() ({
      %run_scoped3A = tpu.sem_alloc : memref<!tpu.dma_semaphore, #tpu.memory_space<semaphore_mem>>
      %dma_start3A_31 = arith.constant 0 : i32
      %dma_start3A_32 = tpu.memref_slice %arg5[%add3A_30, %dma_start3A_31] : memref<4096x128xf32, #tpu.memory_space<hbm>> -> memref<128x128xf32, #tpu.memory_space<hbm>>
      %dma_start3A_33 = arith.constant 0 : i32
      %dma_start3A_34 = tpu.memref_slice %arg10[%mul3A_25, %dma_start3A_33] : memref<2048x128xf32, #tpu.memory_space<vmem_shared>> -> memref<128x128xf32, #tpu.memory_space<vmem_shared>>
      tpu.enqueue_dma source(%dma_start3A_34 : memref<128x128xf32, #tpu.memory_space<vmem_shared>>) target(%dma_start3A_32 : memref<128x128xf32, #tpu.memory_space<hbm>>) target_semaphore(%run_scoped3A : memref<!tpu.dma_semaphore, #tpu.memory_space<semaphore_mem>>)
      %dma_wait3A_35 = arith.constant 0 : i32
      %dma_wait3A_36 = tpu.memref_slice %arg5[%add3A_30, %dma_wait3A_35] : memref<4096x128xf32, #tpu.memory_space<hbm>> -> memref<128x128xf32, #tpu.memory_space<hbm>>
      %dma_wait3A_37 = arith.constant 0 : i32
      %dma_wait3A_38 = tpu.memref_slice %arg10[%mul3A_25, %dma_wait3A_37] : memref<2048x128xf32, #tpu.memory_space<vmem_shared>> -> memref<128x128xf32, #tpu.memory_space<vmem_shared>>
      tpu.wait_dma2 semaphore(%run_scoped3A : memref<!tpu.dma_semaphore, #tpu.memory_space<semaphore_mem>>) src(%dma_wait3A_38 : memref<128x128xf32, #tpu.memory_space<vmem_shared>>) dst(%dma_wait3A_36 : memref<128x128xf32, #tpu.memory_space<hbm>>)
      tpu.yield
    }) : () -> ()
    return
  }
}

module attributes {stable_mosaic.version = 14 : i64} {
  func.func @_span_kernel(%arg0: i32, %arg1: i32, %arg2: memref<1x2x4096xf32, #tpu.memory_space<vmem>>, %arg3: memref<1x1x128xf32, #tpu.memory_space<vmem>>, %arg4: memref<4xf32, #tpu.memory_space<smem>>) attributes {dimension_semantics = [#tpu.dimension_semantics<arbitrary>, #tpu.dimension_semantics<arbitrary>], iteration_bounds = array<i64: 8, 16>, scalar_prefetch = 0 : i64, scratch_operands = 1 : i64, tpu.core_type = #tpu.core_type<tc>, window_params = [{transform_indices = @transform_0, window_bounds = array<i64: 1, 2, 4096>}, {transform_indices = @transform_1, window_bounds = array<i64: 1, 1, 128>}]} {
    %get3A = arith.constant 0 : index
    %get3A_0 = arith.constant 0 : index
    %get3A_1 = arith.constant 0 : index
    %get3A_2 = vector.load %arg2[%get3A, %get3A_0, %get3A_1] : memref<1x2x4096xf32, #tpu.memory_space<vmem>>, vector<1x1x4096xf32>
    %get3A_3 = vector.shape_cast %get3A_2 : vector<1x1x4096xf32> to vector<1x4096xf32>
    %get3A_4 = arith.constant 0 : index
    %get3A_5 = arith.constant 1 : index
    %get3A_6 = arith.constant 0 : index
    %get3A_7 = vector.load %arg2[%get3A_4, %get3A_5, %get3A_6] : memref<1x2x4096xf32, #tpu.memory_space<vmem>>, vector<1x1x4096xf32>
    %get3A_8 = vector.shape_cast %get3A_7 : vector<1x1x4096xf32> to vector<1x4096xf32>
    %eq3A = arith.constant 0 : i32
    %eq3A_9 = arith.cmpi eq, %arg1, %eq3A : i32
    %convert_element_type3A = arith.extui %eq3A_9 : i1 to i32
    %cond3A = arith.constant 0 : i32
    %cond3A_10 = arith.cmpi ne, %convert_element_type3A, %cond3A : i32
    scf.if %cond3A_10 {
      %swap3A_51 = arith.constant 0x7F800000 : f32
      %swap3A_52 = arith.constant 0 : index
      %swap3A_53 = memref.load %arg4[%swap3A_52] : memref<4xf32, #tpu.memory_space<smem>>
      memref.store %swap3A_51, %arg4[%swap3A_52] : memref<4xf32, #tpu.memory_space<smem>>
      %swap3A_54 = arith.constant 0xFF800000 : f32
      %swap3A_55 = arith.constant 1 : index
      %swap3A_56 = memref.load %arg4[%swap3A_55] : memref<4xf32, #tpu.memory_space<smem>>
      memref.store %swap3A_54, %arg4[%swap3A_55] : memref<4xf32, #tpu.memory_space<smem>>
      %swap3A_57 = arith.constant 0x7F800000 : f32
      %swap3A_58 = arith.constant 2 : index
      %swap3A_59 = memref.load %arg4[%swap3A_58] : memref<4xf32, #tpu.memory_space<smem>>
      memref.store %swap3A_57, %arg4[%swap3A_58] : memref<4xf32, #tpu.memory_space<smem>>
      %swap3A_60 = arith.constant 0xFF800000 : f32
      %swap3A_61 = arith.constant 3 : index
      %swap3A_62 = memref.load %arg4[%swap3A_61] : memref<4xf32, #tpu.memory_space<smem>>
      memref.store %swap3A_60, %arg4[%swap3A_61] : memref<4xf32, #tpu.memory_space<smem>>
    } else {
    }
    %get3A_11 = arith.constant 0 : index
    %get3A_12 = memref.load %arg4[%get3A_11] : memref<4xf32, #tpu.memory_space<smem>>
    %reduce_min3A = vector.shape_cast %get3A_3 : vector<1x4096xf32> to vector<1x1x4096xf32>
    %reduce_min3A_13 = arith.constant dense<0x7F800000> : vector<1xf32>
    %reduce_min3A_14 = vector.multi_reduction <minimumf>, %reduce_min3A, %reduce_min3A_13 [1, 2] : vector<1x1x4096xf32> to vector<1xf32>
    %reduce_min3A_15 = vector.shape_cast %reduce_min3A_14 : vector<1xf32> to vector<1x1x1xf32>
    %reduce_min3A_16 = vector.extract %reduce_min3A_15[0, 0, 0] : f32 from vector<1x1x1xf32>
    %min3A = arith.minimumf %get3A_12, %reduce_min3A_16 : f32
    %swap3A = arith.constant 0 : index
    %swap3A_17 = memref.load %arg4[%swap3A] : memref<4xf32, #tpu.memory_space<smem>>
    memref.store %min3A, %arg4[%swap3A] : memref<4xf32, #tpu.memory_space<smem>>
    %get3A_18 = arith.constant 1 : index
    %get3A_19 = memref.load %arg4[%get3A_18] : memref<4xf32, #tpu.memory_space<smem>>
    %reduce_max3A = vector.shape_cast %get3A_3 : vector<1x4096xf32> to vector<1x1x4096xf32>
    %reduce_max3A_20 = arith.constant dense<0xFF800000> : vector<1xf32>
    %reduce_max3A_21 = vector.multi_reduction <maximumf>, %reduce_max3A, %reduce_max3A_20 [1, 2] : vector<1x1x4096xf32> to vector<1xf32>
    %reduce_max3A_22 = vector.shape_cast %reduce_max3A_21 : vector<1xf32> to vector<1x1x1xf32>
    %reduce_max3A_23 = vector.extract %reduce_max3A_22[0, 0, 0] : f32 from vector<1x1x1xf32>
    %max3A = arith.maximumf %get3A_19, %reduce_max3A_23 : f32
    %swap3A_24 = arith.constant 1 : index
    %swap3A_25 = memref.load %arg4[%swap3A_24] : memref<4xf32, #tpu.memory_space<smem>>
    memref.store %max3A, %arg4[%swap3A_24] : memref<4xf32, #tpu.memory_space<smem>>
    %get3A_26 = arith.constant 2 : index
    %get3A_27 = memref.load %arg4[%get3A_26] : memref<4xf32, #tpu.memory_space<smem>>
    %reduce_min3A_28 = vector.shape_cast %get3A_8 : vector<1x4096xf32> to vector<1x1x4096xf32>
    %reduce_min3A_29 = arith.constant dense<0x7F800000> : vector<1xf32>
    %reduce_min3A_30 = vector.multi_reduction <minimumf>, %reduce_min3A_28, %reduce_min3A_29 [1, 2] : vector<1x1x4096xf32> to vector<1xf32>
    %reduce_min3A_31 = vector.shape_cast %reduce_min3A_30 : vector<1xf32> to vector<1x1x1xf32>
    %reduce_min3A_32 = vector.extract %reduce_min3A_31[0, 0, 0] : f32 from vector<1x1x1xf32>
    %min3A_33 = arith.minimumf %get3A_27, %reduce_min3A_32 : f32
    %swap3A_34 = arith.constant 2 : index
    %swap3A_35 = memref.load %arg4[%swap3A_34] : memref<4xf32, #tpu.memory_space<smem>>
    memref.store %min3A_33, %arg4[%swap3A_34] : memref<4xf32, #tpu.memory_space<smem>>
    %get3A_36 = arith.constant 3 : index
    %get3A_37 = memref.load %arg4[%get3A_36] : memref<4xf32, #tpu.memory_space<smem>>
    %reduce_max3A_38 = vector.shape_cast %get3A_8 : vector<1x4096xf32> to vector<1x1x4096xf32>
    %reduce_max3A_39 = arith.constant dense<0xFF800000> : vector<1xf32>
    %reduce_max3A_40 = vector.multi_reduction <maximumf>, %reduce_max3A_38, %reduce_max3A_39 [1, 2] : vector<1x1x4096xf32> to vector<1xf32>
    %reduce_max3A_41 = vector.shape_cast %reduce_max3A_40 : vector<1xf32> to vector<1x1x1xf32>
    %reduce_max3A_42 = vector.extract %reduce_max3A_41[0, 0, 0] : f32 from vector<1x1x1xf32>
    %max3A_43 = arith.maximumf %get3A_37, %reduce_max3A_42 : f32
    %swap3A_44 = arith.constant 3 : index
    %swap3A_45 = memref.load %arg4[%swap3A_44] : memref<4xf32, #tpu.memory_space<smem>>
    memref.store %max3A_43, %arg4[%swap3A_44] : memref<4xf32, #tpu.memory_space<smem>>
    %eq3A_46 = arith.constant 15 : i32
    %eq3A_47 = arith.cmpi eq, %arg1, %eq3A_46 : i32
    %convert_element_type3A_48 = arith.extui %eq3A_47 : i1 to i32
    %cond3A_49 = arith.constant 0 : i32
    %cond3A_50 = arith.cmpi ne, %convert_element_type3A_48, %cond3A_49 : i32
    scf.if %cond3A_50 {
      %iota3A = tpu.iota {dimensions = array<i32: 1>} : vector<1x128xi32>
      %eq3A_51 = arith.constant 0 : i32
      %eq3A_52 = vector.broadcast %eq3A_51 : i32 to vector<1x128xi32>
      %eq3A_53 = arith.cmpi eq, %iota3A, %eq3A_52 : vector<1x128xi32>
      %get3A_54 = arith.constant 0 : index
      %get3A_55 = memref.load %arg4[%get3A_54] : memref<4xf32, #tpu.memory_space<smem>>
      %eq3A_56 = arith.constant 1 : i32
      %eq3A_57 = vector.broadcast %eq3A_56 : i32 to vector<1x128xi32>
      %eq3A_58 = arith.cmpi eq, %iota3A, %eq3A_57 : vector<1x128xi32>
      %get3A_59 = arith.constant 1 : index
      %get3A_60 = memref.load %arg4[%get3A_59] : memref<4xf32, #tpu.memory_space<smem>>
      %eq3A_61 = arith.constant 2 : i32
      %eq3A_62 = vector.broadcast %eq3A_61 : i32 to vector<1x128xi32>
      %eq3A_63 = arith.cmpi eq, %iota3A, %eq3A_62 : vector<1x128xi32>
      %get3A_64 = arith.constant 2 : index
      %get3A_65 = memref.load %arg4[%get3A_64] : memref<4xf32, #tpu.memory_space<smem>>
      %get3A_66 = arith.constant 3 : index
      %get3A_67 = memref.load %arg4[%get3A_66] : memref<4xf32, #tpu.memory_space<smem>>
      %broadcast_in_dim3A = vector.broadcast %get3A_65 : f32 to vector<1x128xf32>
      %broadcast_in_dim3A_68 = vector.broadcast %get3A_67 : f32 to vector<1x128xf32>
      %select_n3A = arith.select %eq3A_63, %broadcast_in_dim3A, %broadcast_in_dim3A_68 : vector<1x128xi1>, vector<1x128xf32>
      %broadcast_in_dim3A_69 = vector.broadcast %get3A_60 : f32 to vector<1x128xf32>
      %select_n3A_70 = arith.select %eq3A_58, %broadcast_in_dim3A_69, %select_n3A : vector<1x128xi1>, vector<1x128xf32>
      %broadcast_in_dim3A_71 = vector.broadcast %get3A_55 : f32 to vector<1x128xf32>
      %select_n3A_72 = arith.select %eq3A_53, %broadcast_in_dim3A_71, %select_n3A_70 : vector<1x128xi1>, vector<1x128xf32>
      %swap3A_73 = arith.constant 0 : index
      %swap3A_74 = arith.constant 0 : index
      %swap3A_75 = arith.constant 0 : index
      %swap3A_76 = vector.load %arg3[%swap3A_73, %swap3A_74, %swap3A_75] : memref<1x1x128xf32, #tpu.memory_space<vmem>>, vector<1x1x128xf32>
      %swap3A_77 = vector.shape_cast %swap3A_76 : vector<1x1x128xf32> to vector<1x128xf32>
      %swap3A_78 = vector.shape_cast %select_n3A_72 : vector<1x128xf32> to vector<1x1x128xf32>
      tpu.vector_store %arg3[%swap3A_73, %swap3A_74, %swap3A_75], %swap3A_78 {strides = array<i32>} : memref<1x1x128xf32, #tpu.memory_space<vmem>>, vector<1x1x128xf32>,
    } else {
    }
    return
  }
  func.func @transform_0(%arg0: i32, %arg1: i32) -> (i32, i32, i32) {
    %c0_i32 = arith.constant 0 : i32
    %c0_i32_0 = arith.constant 0 : i32
    return %arg0, %c0_i32, %arg1 : i32, i32, i32
  }
  func.func @transform_1(%arg0: i32, %arg1: i32) -> (i32, i32, i32) {
    %c0_i32 = arith.constant 0 : i32
    %c0_i32_0 = arith.constant 0 : i32
    %c0_i32_1 = arith.constant 0 : i32
    return %arg0, %c0_i32, %c0_i32_0 : i32, i32, i32
  }
}

module attributes {stable_mosaic.version = 14 : i64} {
  func.func @_encode_kernel(%arg0: i32, %arg1: i32, %arg2: memref<1x1x128xf32, #tpu.memory_space<vmem>>, %arg3: memref<1x4096x7xf32, #tpu.memory_space<vmem>>, %arg4: memref<1x2x4096xf32, #tpu.memory_space<vmem>>, %arg5: memref<7x64xf32, #tpu.memory_space<vmem>>, %arg6: memref<1x64xf32, #tpu.memory_space<vmem>>, %arg7: memref<64x64xf32, #tpu.memory_space<vmem>>, %arg8: memref<1x64xf32, #tpu.memory_space<vmem>>, %arg9: memref<4096x128xf32, #tpu.memory_space<vmem>>, %arg10: memref<1x1x4096xi32, #tpu.memory_space<vmem>>) attributes {dimension_semantics = [#tpu.dimension_semantics<arbitrary>, #tpu.dimension_semantics<arbitrary>], iteration_bounds = array<i64: 4, 16>, scalar_prefetch = 0 : i64, scratch_operands = 0 : i64, tpu.core_type = #tpu.core_type<tc>, window_params = [{transform_indices = @transform_0, window_bounds = array<i64: 1, 1, 128>}, {transform_indices = @transform_1, window_bounds = array<i64: 1, 4096, 7>}, {transform_indices = @transform_2, window_bounds = array<i64: 1, 2, 4096>}, {pipeline_mode = #tpu.pipeline_mode<synchronous>, transform_indices = @transform_3, window_bounds = array<i64: 7, 64>}, {pipeline_mode = #tpu.pipeline_mode<synchronous>, transform_indices = @transform_4, window_bounds = array<i64: 1, 64>}, {pipeline_mode = #tpu.pipeline_mode<synchronous>, transform_indices = @transform_5, window_bounds = array<i64: 64, 64>}, {pipeline_mode = #tpu.pipeline_mode<synchronous>, transform_indices = @transform_6, window_bounds = array<i64: 1, 64>}, {transform_indices = @transform_7, window_bounds = array<i64: 4096, 128>}, {transform_indices = @transform_8, window_bounds = array<i64: 1, 1, 4096>}]} {
    %get3A = arith.constant 0 : index
    %get3A_0 = arith.constant 0 : index
    %get3A_1 = arith.constant 0 : index
    %get3A_2 = vector.load %arg3[%get3A, %get3A_0, %get3A_1] : memref<1x4096x7xf32, #tpu.memory_space<vmem>>, vector<1x4096x7xf32>
    %get3A_3 = vector.shape_cast %get3A_2 : vector<1x4096x7xf32> to vector<4096x7xf32>
    %get3A_4 = arith.constant 0 : index
    %get3A_5 = arith.constant 0 : index
    %get3A_6 = arith.constant 0 : index
    %get3A_7 = vector.load %arg4[%get3A_4, %get3A_5, %get3A_6] : memref<1x2x4096xf32, #tpu.memory_space<vmem>>, vector<1x1x4096xf32>
    %get3A_8 = vector.shape_cast %get3A_7 : vector<1x1x4096xf32> to vector<1x4096xf32>
    %get3A_9 = arith.constant 0 : index
    %get3A_10 = arith.constant 1 : index
    %get3A_11 = arith.constant 0 : index
    %get3A_12 = vector.load %arg4[%get3A_9, %get3A_10, %get3A_11] : memref<1x2x4096xf32, #tpu.memory_space<vmem>>, vector<1x1x4096xf32>
    %get3A_13 = vector.shape_cast %get3A_12 : vector<1x1x4096xf32> to vector<1x4096xf32>
    %get3A_14 = arith.constant 0 : index
    %get3A_15 = arith.constant 0 : index
    %get3A_16 = arith.constant 0 : index
    %get3A_17 = vector.load %arg2[%get3A_14, %get3A_15, %get3A_16] : memref<1x1x128xf32, #tpu.memory_space<vmem>>, vector<1x1x1xf32>
    %get3A_18 = vector.extract %get3A_17[0, 0, 0] : f32 from vector<1x1x1xf32>
    %get3A_19 = arith.constant 0 : index
    %get3A_20 = arith.constant 0 : index
    %get3A_21 = arith.constant 1 : index
    %get3A_22 = vector.load %arg2[%get3A_19, %get3A_20, %get3A_21] : memref<1x1x128xf32, #tpu.memory_space<vmem>>, vector<1x1x1xf32>
    %get3A_23 = vector.extract %get3A_22[0, 0, 0] : f32 from vector<1x1x1xf32>
    %get3A_24 = arith.constant 0 : index
    %get3A_25 = arith.constant 0 : index
    %get3A_26 = arith.constant 2 : index
    %get3A_27 = vector.load %arg2[%get3A_24, %get3A_25, %get3A_26] : memref<1x1x128xf32, #tpu.memory_space<vmem>>, vector<1x1x1xf32>
    %get3A_28 = vector.extract %get3A_27[0, 0, 0] : f32 from vector<1x1x1xf32>
    %get3A_29 = arith.constant 0 : index
    %get3A_30 = arith.constant 0 : index
    %get3A_31 = arith.constant 3 : index
    %get3A_32 = vector.load %arg2[%get3A_29, %get3A_30, %get3A_31] : memref<1x1x128xf32, #tpu.memory_space<vmem>>, vector<1x1x1xf32>
    %get3A_33 = vector.extract %get3A_32[0, 0, 0] : f32 from vector<1x1x1xf32>
    %sub3A = arith.subf %get3A_23, %get3A_18 : f32
    %max3A = arith.constant 9.99999993E-9 : f32
    %max3A_34 = arith.maximumf %sub3A, %max3A : f32
    %sub3A_35 = arith.subf %get3A_33, %get3A_28 : f32
    %max3A_36 = arith.constant 9.99999993E-9 : f32
    %max3A_37 = arith.maximumf %sub3A_35, %max3A_36 : f32
    %sub3A_38 = vector.broadcast %get3A_18 : f32 to vector<1x4096xf32>
    %sub3A_39 = arith.subf %get3A_8, %sub3A_38 : vector<1x4096xf32>
    %div3A = vector.broadcast %max3A_34 : f32 to vector<1x4096xf32>
    %div3A_40 = arith.divf %sub3A_39, %div3A : vector<1x4096xf32>
    %mul3A = arith.constant 3.200000e+01 : f32
    %mul3A_41 = vector.broadcast %mul3A : f32 to vector<1x4096xf32>
    %mul3A_42 = arith.mulf %div3A_40, %mul3A_41 : vector<1x4096xf32>
    %convert_element_type3A = arith.fptosi %mul3A_42 : vector<1x4096xf32> to vector<1x4096xi32>
    %jit3A = arith.constant 0 : i32
    %jit3A_43 = arith.constant 31 : i32
    %max3A_44 = vector.broadcast %jit3A : i32 to vector<1x4096xi32>
    %max3A_45 = arith.maxsi %max3A_44, %convert_element_type3A : vector<1x4096xi32>
    %min3A = vector.broadcast %jit3A_43 : i32 to vector<1x4096xi32>
    %min3A_46 = arith.minsi %min3A, %max3A_45 : vector<1x4096xi32>
    %sub3A_47 = vector.broadcast %get3A_28 : f32 to vector<1x4096xf32>
    %sub3A_48 = arith.subf %get3A_13, %sub3A_47 : vector<1x4096xf32>
    %div3A_49 = vector.broadcast %max3A_37 : f32 to vector<1x4096xf32>
    %div3A_50 = arith.divf %sub3A_48, %div3A_49 : vector<1x4096xf32>
    %mul3A_51 = arith.constant 3.200000e+01 : f32
    %mul3A_52 = vector.broadcast %mul3A_51 : f32 to vector<1x4096xf32>
    %mul3A_53 = arith.mulf %div3A_50, %mul3A_52 : vector<1x4096xf32>
    %convert_element_type3A_54 = arith.fptosi %mul3A_53 : vector<1x4096xf32> to vector<1x4096xi32>
    %jit3A_55 = arith.constant 0 : i32
    %jit3A_56 = arith.constant 31 : i32
    %max3A_57 = vector.broadcast %jit3A_55 : i32 to vector<1x4096xi32>
    %max3A_58 = arith.maxsi %max3A_57, %convert_element_type3A_54 : vector<1x4096xi32>
    %min3A_59 = vector.broadcast %jit3A_56 : i32 to vector<1x4096xi32>
    %min3A_60 = arith.minsi %min3A_59, %max3A_58 : vector<1x4096xi32>
    %mul3A_61 = arith.constant 32 : i32
    %mul3A_62 = vector.broadcast %mul3A_61 : i32 to vector<1x4096xi32>
    %mul3A_63 = arith.muli %min3A_46, %mul3A_62 : vector<1x4096xi32>
    %add3A = arith.addi %mul3A_63, %min3A_60 : vector<1x4096xi32>
    %jit3A_64 = arith.constant 2 : i32
    %eq3A = arith.constant 0 : i32
    %eq3A_65 = arith.cmpi eq, %jit3A_64, %eq3A : i32
    %jit3A_66 = arith.constant 1 : i32
    %select_n3A = arith.select %eq3A_65, %jit3A_66, %jit3A_64 : i32
    %rem3A = arith.remsi %arg0, %select_n3A : i32
    %ne3A = arith.constant 0 : i32
    %ne3A_67 = arith.cmpi ne, %rem3A, %ne3A : i32
    %lt3A = arith.constant 0 : i32
    %lt3A_68 = arith.cmpi slt, %rem3A, %lt3A : i32
    %lt3A_69 = arith.constant 0 : i32
    %lt3A_70 = arith.cmpi slt, %select_n3A, %lt3A_69 : i32
    %ne3A_71 = arith.xori %lt3A_68, %lt3A_70 : i1
    %and3A = arith.andi %ne3A_71, %ne3A_67 : i1
    %add3A_72 = arith.addi %rem3A, %select_n3A : i32
    %select_n3A_73 = arith.select %and3A, %add3A_72, %rem3A : i32
    %mul3A_74 = arith.constant 1024 : i32
    %mul3A_75 = arith.muli %select_n3A_73, %mul3A_74 : i32
    %add3A_76 = vector.broadcast %mul3A_75 : i32 to vector<1x4096xi32>
    %add3A_77 = arith.addi %add3A, %add3A_76 : vector<1x4096xi32>
    %squeeze3A = vector.shape_cast %add3A_77 : vector<1x4096xi32> to vector<4096xi32>
    %swap3A = arith.constant 0 : index
    %swap3A_78 = arith.constant 0 : index
    %swap3A_79 = arith.constant 0 : index
    %swap3A_80 = vector.load %arg10[%swap3A, %swap3A_78, %swap3A_79] : memref<1x1x4096xi32, #tpu.memory_space<vmem>>, vector<1x1x4096xi32>
    %swap3A_81 = vector.shape_cast %swap3A_80 : vector<1x1x4096xi32> to vector<4096xi32>
    %swap3A_82 = vector.shape_cast %squeeze3A : vector<4096xi32> to vector<1x1x4096xi32>
    tpu.vector_store %arg10[%swap3A, %swap3A_78, %swap3A_79], %swap3A_82 {strides = array<i32>} : memref<1x1x4096xi32, #tpu.memory_space<vmem>>, vector<1x1x4096xi32>,
    %get3A_83 = arith.constant 0 : index
    %get3A_84 = arith.constant 0 : index
    %get3A_85 = vector.load %arg5[%get3A_83, %get3A_84] : memref<7x64xf32, #tpu.memory_space<vmem>>, vector<7x64xf32>
    %dot_general3A = arith.constant dense<0.000000e+00> : vector<4096x64xf32>
    %dot_general3A_86 = tpu.matmul %get3A_3, %get3A_85, %dot_general3A {dimension_numbers = #tpu.dot_dimension_numbers<[1], [0], [0], [1], [0, 0, 1, 1], [], []>, transpose_lhs_hint = false} : vector<4096x7xf32>, vector<7x64xf32>, vector<4096x64xf32> -> vector<4096x64xf32>
    %get3A_87 = arith.constant 0 : index
    %get3A_88 = arith.constant 0 : index
    %get3A_89 = vector.load %arg6[%get3A_87, %get3A_88] : memref<1x64xf32, #tpu.memory_space<vmem>>, vector<1x64xf32>
    %add3A_90 = vector.broadcast %get3A_89 : vector<1x64xf32> to vector<4096x64xf32>
    %add3A_91 = arith.addf %dot_general3A_86, %add3A_90 : vector<4096x64xf32>
    %max3A_92 = arith.constant 0.000000e+00 : f32
    %max3A_93 = vector.broadcast %max3A_92 : f32 to vector<4096x64xf32>
    %max3A_94 = arith.maximumf %add3A_91, %max3A_93 : vector<4096x64xf32>
    %get3A_95 = arith.constant 0 : index
    %get3A_96 = arith.constant 0 : index
    %get3A_97 = vector.load %arg7[%get3A_95, %get3A_96] : memref<64x64xf32, #tpu.memory_space<vmem>>, vector<64x64xf32>
    %dot_general3A_98 = arith.constant dense<0.000000e+00> : vector<4096x64xf32>
    %dot_general3A_99 = tpu.matmul %max3A_94, %get3A_97, %dot_general3A_98 {dimension_numbers = #tpu.dot_dimension_numbers<[1], [0], [0], [1], [0, 0, 1, 1], [], []>, transpose_lhs_hint = false} : vector<4096x64xf32>, vector<64x64xf32>, vector<4096x64xf32> -> vector<4096x64xf32>
    %get3A_100 = arith.constant 0 : index
    %get3A_101 = arith.constant 0 : index
    %get3A_102 = vector.load %arg8[%get3A_100, %get3A_101] : memref<1x64xf32, #tpu.memory_space<vmem>>, vector<1x64xf32>
    %add3A_103 = vector.broadcast %get3A_102 : vector<1x64xf32> to vector<4096x64xf32>
    %add3A_104 = arith.addf %dot_general3A_99, %add3A_103 : vector<4096x64xf32>
    %broadcast_in_dim3A = arith.constant 0.000000e+00 : f32
    %broadcast_in_dim3A_105 = vector.broadcast %broadcast_in_dim3A : f32 to vector<4096x64xf32>
    %concatenate3A = tpu.concatenate %add3A_104, %broadcast_in_dim3A_105 in 1 : vector<4096x64xf32>, vector<4096x64xf32> -> vector<4096x128xf32>
    %swap3A_106 = arith.constant 0 : index
    %swap3A_107 = arith.constant 0 : index
    %swap3A_108 = vector.load %arg9[%swap3A_106, %swap3A_107] : memref<4096x128xf32, #tpu.memory_space<vmem>>, vector<4096x128xf32>
    tpu.vector_store %arg9[%swap3A_106, %swap3A_107], %concatenate3A {strides = array<i32>} : memref<4096x128xf32, #tpu.memory_space<vmem>>, vector<4096x128xf32>,
    return
  }
  func.func @transform_0(%arg0: i32, %arg1: i32) -> (i32, i32, i32) {
    %c0_i32 = arith.constant 0 : i32
    %c0_i32_0 = arith.constant 0 : i32
    %c0_i32_1 = arith.constant 0 : i32
    return %arg0, %c0_i32, %c0_i32_0 : i32, i32, i32
  }
  func.func @transform_1(%arg0: i32, %arg1: i32) -> (i32, i32, i32) {
    %c0_i32 = arith.constant 0 : i32
    %c0_i32_0 = arith.constant 0 : i32
    return %arg0, %arg1, %c0_i32 : i32, i32, i32
  }
  func.func @transform_2(%arg0: i32, %arg1: i32) -> (i32, i32, i32) {
    %c0_i32 = arith.constant 0 : i32
    %c0_i32_0 = arith.constant 0 : i32
    return %arg0, %c0_i32, %arg1 : i32, i32, i32
  }
  func.func @transform_3(%arg0: i32, %arg1: i32) -> (i32, i32) {
    %c0_i32 = arith.constant 0 : i32
    %c0_i32_0 = arith.constant 0 : i32
    %c0_i32_1 = arith.constant 0 : i32
    return %c0_i32, %c0_i32_0 : i32, i32
  }
  func.func @transform_4(%arg0: i32, %arg1: i32) -> (i32, i32) {
    %c0_i32 = arith.constant 0 : i32
    %c0_i32_0 = arith.constant 0 : i32
    %c0_i32_1 = arith.constant 0 : i32
    return %c0_i32, %c0_i32_0 : i32, i32
  }
  func.func @transform_5(%arg0: i32, %arg1: i32) -> (i32, i32) {
    %c0_i32 = arith.constant 0 : i32
    %c0_i32_0 = arith.constant 0 : i32
    %c0_i32_1 = arith.constant 0 : i32
    return %c0_i32, %c0_i32_0 : i32, i32
  }
  func.func @transform_6(%arg0: i32, %arg1: i32) -> (i32, i32) {
    %c0_i32 = arith.constant 0 : i32
    %c0_i32_0 = arith.constant 0 : i32
    %c0_i32_1 = arith.constant 0 : i32
    return %c0_i32, %c0_i32_0 : i32, i32
  }
  func.func @transform_7(%arg0: i32, %arg1: i32) -> (i32, i32) {
    %mul3A = arith.constant 16 : i32
    %mul3A_0 = arith.muli %arg0, %mul3A : i32
    %add3A = arith.addi %mul3A_0, %arg1 : i32
    %c0_i32 = arith.constant 0 : i32
    %c0_i32_1 = arith.constant 0 : i32
    return %add3A, %c0_i32 : i32, i32
  }
  func.func @transform_8(%arg0: i32, %arg1: i32) -> (i32, i32, i32) {
    %mul3A = arith.constant 16 : i32
    %mul3A_0 = arith.muli %arg0, %mul3A : i32
    %add3A = arith.addi %mul3A_0, %arg1 : i32
    %c0_i32 = arith.constant 0 : i32
    %c0_i32_1 = arith.constant 0 : i32
    %c0_i32_2 = arith.constant 0 : i32
    return %add3A, %c0_i32, %c0_i32_1 : i32, i32, i32
  }
}

</mosaic_0001>

<sc_bundles>
// kernel: kernel.10.cloned.1.call-start
scs
__scs_entry_jumppad:
0x0: {  	(pc) =	sbr.rel $0x88, $3  }
0x1: {  	(tag) =	ssettag $0x0;
	lr =	simm.s32 $0x1  }
0x2: {  	[smem:$0x3F9C] =	sst lr;
	_ =	strace $0xD0000000  }
0x3: {  	_ = 	snop  }
0x4: {  	_ = 	snop  }
0x5: {  	_ = 	snop  }
0x6: {  	_ = 	snop  }
0x7: {  	_ = 	snop  }
__scs_overlays_trampoline_lowered:
0x8: {  	[smem:$0x3FAB] =	sst s0  }
0x9: {  	[smem:$0x3FAC] =	sst s1  }
0xa: {  	[smem:$0x3FAD] =	sst s2  }
0xb: {  	[smem:$0x3FAE] =	sst s3  }
0xc: {  	[smem:$0x3FAF] =	sst s4  }
0xd: {  	[smem:$0x3FB0] =	sst s5  }
0xe: {  	[smem:$0x3FB1] =	sst s6  }
0xf: {  	[smem:$0x3FB2] =	sst s7  }
0x10: {  	[smem:$0x3FB3] =	sst s8  }
0x11: {  	[smem:$0x3FB4] =	sst s9;
	s0 =	simm.s32 @!p0 $0x0  }
0x12: {  	s1 =	sld [smem:$0x3F9A];
	s0 =	simm.s32 @p0 $0x1  }
0x13: {  	[smem:$0x3FB5] =	sst s0;
	s0 =	simm.s32 @!p1 $0x0  }
0x14: {  	s2 =	sld [smem:$0x3F99];
	s0 =	simm.s32 @p1 $0x1  }
0x15: {  	[smem:$0x3FB6] =	sst s0;
	s0 =	simm.s32 @!p2 $0x0  }
0x16: {  	s3 =	sld [smem:$0x3FDB];
	s0 =	simm.s32 @p2 $0x1  }
0x17: {  	s4 =	simm.s32 $0x1BF5;
	[smem:$0x3FB8] =	sst s0  }
0x18: {  	s0 =	sld [smem:$0x3F9B];
	_ =	swait.ge [sflag:s4], $0x0  }
0x19: {  	s7 =	sld [smem:$0x3F9C]  }
0x1a: {  	s8 =	sadd.s32 $0xFFFFE003, lr  }
0x1b: {  	s9 =	sadd.s32 $0xFFFFFEF7, lr;
	s5 =	simm.s32 $0xFFFFFFFF;
	p2 =	slt.u32 s8, $0xFFFFF086  }
0x1c: {  	p1 =	slt.u32 s9, $0xF7A;
	s5 =	simm.s32 @!p2 $0x0  }
0x1d: {  	s5 =	simm.s32 @p1 $0x1;
	p0 =	seq.s32 s7, s2  }
0x1e: {  	s7 =	smul.u32 @!p0 $0xF7A, s2;
	p2 =	seq.s32 @!p0 s5, $0x0  }
0x1f: {  	s9 =	smul.u32 $0xF7A, s1;
	s8 =	simm.s32 @!p0 $0x1BF5;
	p2 =	por !p2, p0  }
0x20: {  	[sflag:s8] =	ssyncset.s32 @!p0 $0xFFFFF086;
	s6 =	sadd.s32 @!p0 s3, s7;
	s7 =	simm.s32 @!p0 $0x108  }
0x21: {  	s3 =	sadd.s32 s3, s9;
	s6 =	sadd.s32 @!p0 $0x88, s6;
	s7 =	simm.s32 @p2 $0x1082  }
0x22: {  	[simem:s7], [sflag:s8] =	dma.local @!p0 [hbm:s6], $0xF7A  }
0x23: {  	s9 =	sor.u32 $0xD0000000, s2;
	s6 =	simm.s32 $0x108;
	_ =	swait.ge @!p0 [sflag:s8], $0x0  }
0x24: {  	s3 =	sadd.s32 $0x88, s3;
	s6 =	simm.s32 @!p1 $0x1082;
	[sflag:s4] =	ssyncset.s32 $0xFFFFF086  }
0x25: {  	[simem:s6], [sflag:s4] =	dma.local [hbm:s3], $0xF7A  }
0x26: {  	[smem:$0x3F9C] =	sst s1;
	(tag) =	ssettag s2;
	_ =	strace s9  }
0x27: {  	s1 =	sld [smem:$0x3FAC]  }
0x28: {  	s2 =	sld [smem:$0x3FAD]  }
0x29: {  	s4 =	sld [smem:$0x3FAF]  }
0x2a: {  	p0 =	seq.s32 s5, $0x0;
	s5 =	sld [smem:$0x3FB0]  }
0x2b: {  	s6 =	sld [smem:$0x3FB1]  }
0x2c: {  	s7 =	sld [smem:$0x3FB2]  }
0x2d: {  	s3 =	simm.s32 $0x108;
	s8 =	sld [smem:$0x3FB3]  }
0x2e: {  	s3 =	simm.s32 @!p0 $0x1082;
	s9 =	sld [smem:$0x3FB4]  }
0x2f: {  	lr =	sadd.s32 s0, s3;
	s0 =	sld [smem:$0x3FAB]  }
0x30: {  	s3 =	sld [smem:$0x3FAE]  }
0x31: {  	[smem:$0x3FB7] =	sst s10  }
0x32: {  	s10 =	sld [smem:$0x3FB5];
	_ =	sdelay $0x3  }
0x33: {  	p0 =	seq.s32 s10, $0x1;
	s10 =	sld [smem:$0x3FB7];
	_ =	sdelay $0x3  }
0x34: {  	[smem:$0x3FB7] =	sst s10  }
0x35: {  	s10 =	sld [smem:$0x3FB6];
	_ =	sdelay $0x3  }
0x36: {  	p1 =	seq.s32 s10, $0x1;
	s10 =	sld [smem:$0x3FB7];
	_ =	sdelay $0x3  }
0x37: {  	[smem:$0x3FB7] =	sst s10  }
0x38: {  	s10 =	sld [smem:$0x3FB8]  }
0x39: {  	_ = 	snop;
	(pc) =	sbr.ind lr, $3  }
0x3a: {  	_ = 	snop  }
0x3b: {  	_ = 	snop  }
0x3c: {  	p2 =	seq.s32 s10, $0x1;
	s10 =	sld [smem:$0x3FB7]  }
0x3d: {  	_ =	shalt  }
0x3e: {  	_ =	shalt  }
0x3f: {  	_ =	shalt  }
0x40: {  	_ =	shalt  }
0x41: {  	_ =	shalt  }
0x42: {  	_ =	shalt  }
0x43: {  	_ =	shalt  }
0x44: {  	_ =	shalt  }
0x45: {  	_ =	shalt  }
0x46: {  	_ =	shalt  }
0x47: {  	_ =	shalt  }
0x48: {  	_ =	shalt  }
0x49: {  	_ =	shalt  }
0x4a: {  	_ =	shalt  }
0x4b: {  	_ =	shalt  }
0x4c: {  	_ =	shalt  }
0x4d: {  	_ =	shalt  }
0x4e: {  	_ =	shalt  }
0x4f: {  	_ =	shalt  }
0x50: {  	_ =	shalt  }
0x51: {  	_ =	shalt  }
0x52: {  	_ =	shalt  }
0x53: {  	_ =	shalt  }
0x54: {  	_ =	shalt  }
0x55: {  	_ =	shalt  }
0x56: {  	_ =	shalt  }
0x57: {  	_ =	shalt  }
0x58: {  	_ =	shalt  }
0x59: {  	_ =	shalt  }
0x5a: {  	_ =	shalt  }
0x5b: {  	_ =	shalt  }
0x5c: {  	_ =	shalt  }
0x5d: {  	_ =	shalt  }
0x5e: {  	_ =	shalt  }
0x5f: {  	_ =	shalt  }
0x60: {  	_ =	shalt  }
0x61: {  	_ =	shalt  }
0x62: {  	_ =	shalt  }
0x63: {  	_ =	shalt  }
0x64: {  	_ =	shalt  }
0x65: {  	_ =	shalt  }
0x66: {  	_ =	shalt  }
0x67: {  	_ =	shalt  }
0x68: {  	_ =	shalt  }
0x69: {  	_ =	shalt  }
0x6a: {  	_ =	shalt  }
0x6b: {  	_ =	shalt  }
0x6c: {  	_ =	shalt  }
0x6d: {  	_ =	shalt  }
0x6e: {  	_ =	shalt  }
0x6f: {  	_ =	shalt  }
0x70: {  	_ =	shalt  }
0x71: {  	_ =	shalt  }
0x72: {  	_ =	shalt  }
0x73: {  	_ =	shalt  }
0x74: {  	_ =	shalt  }
0x75: {  	_ =	shalt  }
0x76: {  	_ =	shalt  }
0x77: {  	_ =	shalt  }
0x78: {  	_ =	shalt  }
0x79: {  	_ =	shalt  }
0x7a: {  	_ =	shalt  }
0x7b: {  	_ =	shalt  }
0x7c: {  	_ =	shalt  }
0x7d: {  	_ =	shalt  }
0x7e: {  	_ =	shalt  }
0x7f: {  	_ =	shalt  }
0x80: {  	_ =	shalt  }
0x81: {  	_ =	shalt  }
0x82: {  	_ =	shalt  }
0x83: {  	_ =	shalt  }
0x84: {  	_ =	shalt  }
0x85: {  	_ =	shalt  }
0x86: {  	_ =	shalt  }
0x87: {  	_ =	shalt  }
.Lfunc_end0:
.L_simem_size_0:
called_computation.1_lowered:
.L_overlay_start_0:
0x88: {  	s2 =	sld [smem:$0x3FD9]  }
0x89: {  	s3 =	sld [smem:$0x3FFE];
	_ =	sdelay $0x1  }
0x8a: {  	s1 =	srdreg.scid  }
0x8b: {  	s0 =	sand.u32 $0x1, s1  }
0x8c: {  	s17 =	sshll.u32 s0, $0xA;
	s2 =	sadd.s32 s3, s2  }
0x8d: {  	s2 =	sadd.s32 s2, s17  }
0x8e: {  	[smem:$0x3FC3] =	sst s2  }
0x8f: {  	_ = 	snop  }
0x90: {  	s18 =	sld [smem:$0x3FD0];
	(tm) =	ssettm $0x1  }
0x91: {  	s19 =	sld [smem:$0x3FFB];
	_ =	sdelay $0x3  }
0x92: {  	_ =	strace s19  }
0x93: {  	s2 =	sld [smem:$0x3FFC];
	_ =	sdelay $0x3  }
0x94: {  	_ =	strace s2  }
0x95: {  	s2 =	sld [smem:$0x3FFD];
	_ =	sdelay $0x3  }
0x96: {  	_ =	strace s2  }
0x97: {  	_ =	strace $0x8FFFFFFF  }
0x98: {  	s20 =	sld [smem:$0x3FDB];
	_ =	sdelay $0x1  }
0x99: {  	s4 =	simm.s32 $_scs_section_size  }
0x9a: {  	s5 =	simm.s32 $_size__tile_overlayer_lowered;
	s6 =	simm.s32 $_tile_overlayer_lowered  }
0x9b: {  	s7 =	simm.s32 $0x1BFF;
	s21 =	sshll.u32 s6, $0x1;
	s4 =	sadd.s32 s4, s20  }
0x9c: {  	s22 =	simm.s32 $0x0;
	s5 =	sshll.u32 s5, $0x1;
	s6 =	sadd.s32 s21, s4  }
0x9d: {  	[timem:s22], [sflag:s7] =	dma.local [hbm:s6], s5  }
0x9e: {  	_ =	swait.ge [sflag:s7], s5  }
0x9f: {  	s5 =	ssub.s32 $0x0, s5;
	[sflag:s7] =	ssyncset.done $0x0  }
0xa0: {  	[sflag:s7] =	ssyncadd.s32 s5;
	_ =	sdelay $0x1  }
0xa1: {  	s23 =	simm.s32 $0x1B8B  }
0xa2: {  	_ =	swait.ge [sflag:s23], $0x1  }
0xa3: {  	[sflag:s23] =	ssyncset.done $0x0  }
0xa4: {  	[sflag:s23] =	ssyncadd.s32 $0xFFFFFFFF  }
0xa5: {  	s5 =	sld [smem:$0x0]  }
0xa6: {  	s6 =	sand.u32 $0xFFFFFFFE, s1  }
0xa7: {  	p0 =	sne.s32 s1, s6  }
0xa8: {  	s6 =	sshll.u32 @p0 s6, $0xE  }
0xa9: {  	s6 =	sadd.s32 @p0 $0x11B8D, s6;
	s7 =	sshll.u32 @p0 s5, $0x11  }
0xaa: {  	s6 =	sor.u32 @p0 s7, s6  }
0xab: {  	[sflag:s6] =	ssyncadd.remote.s32 @p0 $0x1;
	_ =	sdelay $0x1  }
0xac: {  	s6 =	simm.s32 @p0 $0x1B8D  }
0xad: {  	_ =	swait.eq @p0 [sflag:s6], $0x1  }
0xae: {  	[sflag:s6] =	ssyncadd.s32 @p0 $0xFFFFFFFF  }
0xaf: {  	s7 =	sshll.u32 @!p0 s1, $0xE  }
0xb0: {  	s7 =	sor.u32 @!p0 $0x4000, s7;
	s6 =	simm.s32 @!p0 $0x1B8D  }
0xb1: {  	s5 =	sshll.u32 @!p0 s5, $0x11;
	s7 =	sadd.s32 @!p0 $0x11B8D, s7;
	_ =	swait.eq @!p0 [sflag:s6], $0x1  }
0xb2: {  	s5 =	sor.u32 @!p0 s5, s7;
	[sflag:s6] =	ssyncadd.s32 @!p0 $0xFFFFFFFF  }
0xb3: {  	s25 =	simm.s32 $0x1B8E;
	s24 =	sld [smem:$0x3FFE];
	[sflag:s5] =	ssyncadd.remote.s32 @!p0 $0x1  }
0xb4: {  	s26 =	simm.s32 $execute0_lowered;
	[smem:$0x3FD2] =	sst s25  }
0xb5: {  	s6 =	sshll.u32 s26, $0x1;
	_ =	strace $0x80000049;
	[dreg:$0x1] =	wrdreg $0xFFFFFFFF  }
0xb6: {  	s28 =	simm.s32 $_size_execute0_lowered;
	s4 =	sadd.s32 s4, s6;
	[dreg:$0x0] =	wrdreg $0x0  }
0xb7: {  	s6 =	sshll.u32 s28, $0x1;
	[dreg:$0x2] =	wrdreg s4  }
0xb8: {  	[dreg:$0x3] =	wrdreg s6  }
0xb9: {  	[dreg:$0x4] =	wrdreg $0xC0  }
0xba: {  	_ =	task [dreg:s22], $0x5FFFF  }
0xbb: {  	[dreg:$0x1] =	wrdreg $0xFFFFFFFF  }
0xbc: {  	[dreg:$0x0] =	wrdreg $0x60  }
0xbd: {  	[dreg:$0x2] =	wrdreg s24  }
0xbe: {  	[dreg:$0x3] =	wrdreg s18  }
0xbf: {  	[dreg:$0x4] =	wrdreg $0x81000  }
0xc0: {  	[dreg:$0x5] =	wrdreg $0xA  }
0xc1: {  	_ =	task.clear_ibuf [dreg:s22], $0x6FFFF;
	_ =	strace $0x90000049  }
0xc2: {  	s29 =	simm.s32 $0xA;
	_ =	strace $0x8000004B  }
0xc3: {  	_ =	swait.ge [sflag:s29], $0x1  }
0xc4: {  	[sflag:s29] =	ssyncadd.s32 $0xFFFFFFFF  }
0xc5: {  	_ =	strace $0x9000004B  }
0xc6: {  	_ =	sfence  }
0xc7: {  	s30 =	sld [smem:$0x0];
	_ =	sdelay $0x2  }
0xc8: {  	s31 =	sshll.u32 s1, $0xD;
	s1 =	sshrl.u32 s1, $0x2  }
0xc9: {  	s4 =	sand.u32 $0x4000, s31;
	s1 =	sadd.s32 s1, s30  }
0xca: {  	s0 =	sor.u32 s4, s0;
	s1 =	sshll.u32 s1, $0x11  }
0xcb: {  	s0 =	sor.u32 s1, s0  }
0xcc: {  	s0 =	sadd.s32 $0x8F2B, s0  }
0xcd: {  	[sflag:s0] =	ssyncadd.remote.s32 $0x1  }
0xce: {  	_ =	sfence.sel $0xFFFF  }
0xcf: {  	[dreg:$0x0] =	wrdreg $0xFFFFFFFF;
	(pc) =	sbr.abs _section_cstart, $3  }
0xd0: {  	[dreg:$0x1] =	wrdreg $0xFFFFFFFF  }
0xd1: {  	_ =	task.clear_ibuf [dreg:s22], $0x2FFFF;
	_ =	strace $0x9FFFFFFF  }
0xd2: {  	(tm) =	ssettm $0x7FFFFFFF  }
0xd3: {  	_ =	shalt  }
tec
execute0_lowered:
.L_overlay_start_1:
0x0: {  	(tag) =	ssettag $0x1  }
0x1: {  	s7 =	rddreg [dreg:$0x0]  }
0x2: {  	s1 =	rddreg [dreg:$0x1]  }
0x3: {  	s2 =	rddreg [dreg:$0x2]  }
0x4: {  	s0 =	rddreg [dreg:$0x3];
	s3 =	simm.s32 $0x0  }
0x5: {  	s6 =	srdreg.scid;
	s4 =	stileid.u32;
	s19 =	simm.s32 $0x80  }
0x6: {  	s20 =	simm.s32 $0x4100;
	s21 =	simm.s32 $0x1;
	s22 =	simm.s32 $0x2  }
0x7: {  	s23 =	simm.s32 $0x0;
	[smem:$0x7FF] =	sst s3;
	s5 =	sadd.s32 $0xC3BA00, s7  }
0x8: {  	s11 =	sand.u32 $0x1, s6;
	s6 =	sadd.s32 $0x43A00, s7;
	s9 =	sshll.u32 s4, $0xD  }
0x9: {  	s10 =	sshll.u32 s4, $0xB;
	s26 =	sshll.u32 s4, $0xE;
	s28 =	sshll.u32 s4, $0x6  }
0xa: {  	s16 =	sshll.u32 s4, $0x11;
	_ =	strace $0x8000004A;
	s8 =	sshll.u32 s11, $0x11  }
0xb: {  	s12 =	ssub.s32 $0x2, s11;
	s13 =	sadd.s32 s10, s7;
	s17 =	sadd.s32 s26, s2  }
0xc: {  	s14 =	sshll.u32 s11, $0xF;
	s11 =	sshll.u32 s11, $0x15;
	s15 =	sor.u32 s9, s8  }
0xd: {  	s24 =	sshrl.u32 s12, $0x1;
	s9 =	sor.u32 $0x1C03, s28;
	s13 =	sadd.s32 s14, s13  }
0xe: {  	s29 =	sadd.s32 s11, s5;
	s17 =	sshrl.u32 s17, $0x3;
	s8 =	sshrl.u32 s15, $0x3  }
0xf: {  	s12 =	ssub.s32 s12, s24;
	s25 =	sshll.u32 s15, $0x4;
	s10 =	sor.u32 $0x1F80, s15  }
0x10: {  	s18 =	sor.u32 $0x80, s15;
	s11 =	sadd.s32 $0x3800, s13;
	s30 =	sadd.s32 s16, s29  }
0x11: {  	s15 =	sor.u32 $0x100, s15;
	s16 =	simm.s32 $0x100;
	s7 =	sadd.s32 s1, s8  }
0x12: {  	s8 =	sadd.s32 s5, s25;
	s31 =	sshrl.u32 s18, $0x3;
	s12 =	smax.u32 s12, $0x1  }
0x13: {  	s13 =	sadd.s32 $0x800, s30;
	s18 =	simm.s32 $0x3;
	s14 =	sadd.s32 s31, s1  }
.LBB2_1:
0x14: {  	[tilespmem:s3], [sflag:$0x1] =	stream.linear.gather [hbm4b:s7+s3], $0x80, $0x38;
	[tilespmem:$0xC100] =	vst v63  }
0x15: {  	_ = 	snop  }
0x16: {  	[tilespmem:s16], [sflag:$0x1] =	stream.linear.gather [hbm4b:s8+s3], $0x4000, $0x38;
	[tilespmem:$0xC100] =	vst v63  }
0x17: {  	[spmem:s17], [sflag:s9] =	dma.local [hbm:s6], $0x800  }
0x18: {  	_ =	swait.ge [sflag:s18], $0x800  }
0x19: {  	[sflag:s18] =	ssyncset.done $0x0  }
0x1a: {  	[sflag:s18] =	ssyncadd.s32 $0xFFFFF800  }
0x1b: {  	s24 =	sadd.s32 $0x0, s14;
	[bflag:$0x0] =	sbarrier.arrive $0xFFFF  }
0x1c: {  	[tilespmem:s19], [sflag:$0x2] =	stream.linear.gather [hbm4b:s24+s3], $0x80, $0x38;
	[tilespmem:$0xC100] =	vst v63  }
0x1d: {  	_ = 	snop  }
0x1e: {  	[tilespmem:s20], [sflag:$0x2] =	stream.linear.gather [hbm4b:s13+s3], $0x4000, $0x38;
	[tilespmem:$0xC100] =	vst v63  }
0x1f: {  	_ =	swait.ge [sflag:s21], $0x80  }
0x20: {  	[sflag:s21] =	ssyncset.done $0x0  }
0x21: {  	[sflag:s21] =	ssyncadd.s32 $0xFFFFFF80  }
0x22: {  	_ =	swait.ge [sflag:s21], $0x4000  }
0x23: {  	[sflag:s21] =	ssyncset.done $0x0  }
0x24: {  	p0 =	slt.s32 s15, s10;
	s24 =	smov.u32 s10;
	[sflag:s21] =	ssyncadd.s32 $0xFFFFC000  }
0x25: {  	[spmem:s2] =	stream.indirect.scatter.add.f32 [tilespmem:s16], [sflag:$0x3], $0x80, s3, s19, $0xb8;
	[tilespmem:$0xC100] =	vst v63  }
0x26: {  	s24 =	smov.u32 @p0 s15;
	_ =	swait.ge [sflag:s18], $0x4000  }
0x27: {  	s25 =	sshrl.u32 s24, $0x3;
	[sflag:s18] =	ssyncset.done $0x0  }
0x28: {  	s24 =	sshll.u32 s24, $0x4;
	s25 =	sadd.s32 s1, s25;
	[sflag:s18] =	ssyncadd.s32 $0xFFFFC000  }
0x29: {  	[tilespmem:s3], [sflag:$0x1] =	stream.linear.gather [hbm4b:s25+s3], $0x80, $0x38;
	[tilespmem:$0xC100] =	vst v63  }
0x2a: {  	s24 =	sadd.s32 s5, s24  }
0x2b: {  	[tilespmem:s16], [sflag:$0x1] =	stream.linear.gather [hbm4b:s24+s3], $0x4000, $0x38;
	[tilespmem:$0xC100] =	vst v63  }
0x2c: {  	_ =	swait.ge [sflag:s22], $0x80  }
0x2d: {  	[sflag:s22] =	ssyncset.done $0x0  }
0x2e: {  	[sflag:s22] =	ssyncadd.s32 $0xFFFFFF80  }
0x2f: {  	_ =	swait.ge [sflag:s22], $0x4000  }
0x30: {  	[sflag:s22] =	ssyncset.done $0x0  }
0x31: {  	[sflag:s22] =	ssyncadd.s32 $0xFFFFC000  }
0x32: {  	[spmem:s2] =	stream.indirect.scatter.add.f32 [tilespmem:s20], [sflag:$0x3], $0x80, s19, s19, $0xb8;
	[tilespmem:$0xC100] =	vst v63  }
0x33: {  	s26 =	simm.s32 $0x20;
	s28 =	simm.s32 $0x40;
	_ =	swait.ge [sflag:s18], $0x4000  }
0x34: {  	s25 =	sadd.s32 $0x1000, s13;
	s24 =	sadd.s32 $0x100, s15;
	[sflag:s18] =	ssyncset.done $0x0  }
.LBB2_2:
0x35: {  	s29 =	sadd.s32 s26, s14  }
0x36: {  	[sflag:s18] =	ssyncadd.s32 $0xFFFFC000;
	s26 =	smov.u32 s28;
	s30 =	sadd.s32 $0x20, s28  }
0x37: {  	[tilespmem:s19], [sflag:$0x2] =	stream.linear.gather [hbm4b:s29+s3], $0x80, $0x38;
	[tilespmem:$0xC100] =	vst v63  }
0x38: {  	p0 =	sne.s32 s28, $0x3E0  }
0x39: {  	[tilespmem:s20], [sflag:$0x2] =	stream.linear.gather [hbm4b:s25+s3], $0x4000, $0x38;
	[tilespmem:$0xC100] =	vst v63  }
0x3a: {  	_ =	swait.ge [sflag:s21], $0x80  }
0x3b: {  	[sflag:s21] =	ssyncset.done $0x0  }
0x3c: {  	[sflag:s21] =	ssyncadd.s32 $0xFFFFFF80  }
0x3d: {  	_ =	swait.ge [sflag:s21], $0x4000  }
0x3e: {  	[sflag:s21] =	ssyncset.done $0x0  }
0x3f: {  	p1 =	slt.s32 s24, s10;
	s28 =	smov.u32 s10;
	[sflag:s21] =	ssyncadd.s32 $0xFFFFC000  }
0x40: {  	[spmem:s2] =	stream.indirect.scatter.add.f32 [tilespmem:s16], [sflag:$0x3], $0x80, s3, s19, $0xb8;
	[tilespmem:$0xC100] =	vst v63  }
0x41: {  	s28 =	smov.u32 @p1 s24;
	_ =	swait.ge [sflag:s18], $0x4000  }
0x42: {  	s29 =	sshrl.u32 s28, $0x3;
	s28 =	sshll.u32 s28, $0x4;
	[sflag:s18] =	ssyncset.done $0x0  }
0x43: {  	s29 =	sadd.s32 s1, s29;
	[sflag:s18] =	ssyncadd.s32 $0xFFFFC000  }
0x44: {  	[tilespmem:s3], [sflag:$0x1] =	stream.linear.gather [hbm4b:s29+s3], $0x80, $0x38;
	[tilespmem:$0xC100] =	vst v63  }
0x45: {  	s28 =	sadd.s32 s5, s28  }
0x46: {  	[tilespmem:s16], [sflag:$0x1] =	stream.linear.gather [hbm4b:s28+s3], $0x4000, $0x38;
	[tilespmem:$0xC100] =	vst v63  }
0x47: {  	_ =	swait.ge [sflag:s22], $0x80  }
0x48: {  	[sflag:s22] =	ssyncset.done $0x0  }
0x49: {  	[sflag:s22] =	ssyncadd.s32 $0xFFFFFF80  }
0x4a: {  	_ =	swait.ge [sflag:s22], $0x4000  }
.Ltmp0:
0x4b: {  	[sflag:s22] =	ssyncset.done $0x0;
	(pc) =	sbr.rel @p0 .LBB2_2-.Ltmp0, $4  }
0x4c: {  	[sflag:s22] =	ssyncadd.s32 $0xFFFFC000  }
0x4d: {  	[spmem:s2] =	stream.indirect.scatter.add.f32 [tilespmem:s20], [sflag:$0x3], $0x80, s19, s19, $0xb8;
	[tilespmem:$0xC100] =	vst v63  }
0x4e: {  	s24 =	sadd.s32 $0x100, s24;
	_ =	swait.ge [sflag:s18], $0x4000  }
0x4f: {  	s25 =	sadd.s32 $0x1000, s25;
	s28 =	smov.u32 s30;
	[sflag:s18] =	ssyncset.done $0x0  }
0x50: {  	s26 =	sadd.s32 s26, s14;
	[sflag:s18] =	ssyncadd.s32 $0xFFFFC000  }
0x51: {  	[tilespmem:s19], [sflag:$0x2] =	stream.linear.gather [hbm4b:s26+s3], $0x80, $0x38;
	[tilespmem:$0xC100] =	vst v63  }
0x52: {  	_ = 	snop  }
0x53: {  	[tilespmem:s20], [sflag:$0x2] =	stream.linear.gather [hbm4b:s25+s3], $0x4000, $0x38;
	[tilespmem:$0xC100] =	vst v63  }
0x54: {  	_ =	swait.ge [sflag:s21], $0x80  }
0x55: {  	[sflag:s21] =	ssyncset.done $0x0  }
0x56: {  	[sflag:s21] =	ssyncadd.s32 $0xFFFFFF80  }
0x57: {  	_ =	swait.ge [sflag:s21], $0x4000  }
0x58: {  	[sflag:s21] =	ssyncset.done $0x0  }
0x59: {  	p0 =	slt.s32 s24, s10;
	s25 =	smov.u32 s10;
	[sflag:s21] =	ssyncadd.s32 $0xFFFFC000  }
0x5a: {  	[spmem:s2] =	stream.indirect.scatter.add.f32 [tilespmem:s16], [sflag:$0x3], $0x80, s3, s19, $0xb8;
	[tilespmem:$0xC100] =	vst v63  }
0x5b: {  	s25 =	smov.u32 @p0 s24;
	_ =	swait.ge [sflag:s18], $0x4000  }
0x5c: {  	s24 =	sshrl.u32 s25, $0x3;
	[sflag:s18] =	ssyncset.done $0x0  }
0x5d: {  	s25 =	sshll.u32 s25, $0x4;
	s24 =	sadd.s32 s1, s24;
	[sflag:s18] =	ssyncadd.s32 $0xFFFFC000  }
0x5e: {  	[tilespmem:s3], [sflag:$0x1] =	stream.linear.gather [hbm4b:s24+s3], $0x80, $0x38;
	[tilespmem:$0xC100] =	vst v63  }
0x5f: {  	s31 =	sadd.s32 s5, s25  }
0x60: {  	[tilespmem:s16], [sflag:$0x1] =	stream.linear.gather [hbm4b:s31+s3], $0x4000, $0x38;
	[tilespmem:$0xC100] =	vst v63  }
0x61: {  	_ =	swait.ge [sflag:s22], $0x80  }
0x62: {  	[sflag:s22] =	ssyncset.done $0x0  }
0x63: {  	[sflag:s22] =	ssyncadd.s32 $0xFFFFFF80  }
0x64: {  	_ =	swait.ge [sflag:s22], $0x4000  }
0x65: {  	[sflag:s22] =	ssyncset.done $0x0  }
0x66: {  	[sflag:s22] =	ssyncadd.s32 $0xFFFFC000  }
0x67: {  	[spmem:s2] =	stream.indirect.scatter.add.f32 [tilespmem:s20], [sflag:$0x3], $0x80, s19, s19, $0xb8;
	[tilespmem:$0xC100] =	vst v63  }
0x68: {  	_ =	swait.ge [sflag:s18], $0x4000  }
0x69: {  	[sflag:s18] =	ssyncset.done $0x0  }
0x6a: {  	[sflag:s18] =	ssyncadd.s32 $0xFFFFC000  }
0x6b: {  	_ =	swait.ge [sflag:s21], $0x80  }
0x6c: {  	[sflag:s21] =	ssyncset.done $0x0  }
0x6d: {  	[sflag:s21] =	ssyncadd.s32 $0xFFFFFF80  }
0x6e: {  	_ =	swait.ge [sflag:s21], $0x4000  }
0x6f: {  	s23 =	sadd.s32 $0x1, s23;
	[sflag:s21] =	ssyncset.done $0x0  }
0x70: {  	p0 =	sne.s32 s23, s12;
	[sflag:s21] =	ssyncadd.s32 $0xFFFFC000  }
.Ltmp1:
0x71: {  	[bflag:$0x0] =	sbarrier.arrive $0xFFFF;
	(pc) =	sbr.rel @p0 .LBB2_1-.Ltmp1, $4  }
0x72: {  	[hbm:s11], [sflag:s9] =	dma.local [spmem:s17], $0x800  }
0x73: {  	_ =	swait.ge [sflag:s18], $0x800  }
0x74: {  	[sflag:s18] =	ssyncset.done $0x0  }
0x75: {  	[sflag:s18] =	ssyncadd.s32 $0xFFFFF800  }
0x76: {  	_ =	sfence.sel $0x180000  }
0x77: {  	[bflag:$0x0] =	sbarrier.arrive $0xFFFF  }
0x78: {  	p0 =	sne.s32 s4, $0x0;
	_ =	strace $0x9000004A  }
0x79: {  	s0 =	sadd.s32 @!p0 $0x100000, s0;
	[bflag:$0x2] =	sbarrier.arrive $0xFFFF  }
0x7a: {  	[sflag:s0] =	ssyncadd.tile.s32 @!p0 $0x1;
	_ =	shalt  }
.Lfunc_end2:
_tile_overlayer_lowered:
.L_overlay_start_2:
0x7b: {  	(tag) =	ssettag $0x2  }
0x7c: {  	s0 =	rddreg [dreg:$0x0];
	s2 =	stileid.u32  }
0x7d: {  	s1 =	rddreg [dreg:$0x1];
	p0 =	sne.s32 s2, $0x0  }
0x7e: {  	s3 =	rddreg [dreg:$0x2];
	[bflag:$0x3] =	sbarrier.arrive $0xFFFF;
	s2 =	simm.s32 @!p0 $0x1C03  }
0x7f: {  	[timem:s3], [sflag:s2] =	dma.local @!p0 [hbm:s0], s1  }
0x80: {  	s0 =	simm.s32 @!p0 $0x3  }
0x81: {  	_ =	swait.ge @!p0 [sflag:s0], s1  }
0x82: {  	s1 =	ssub.s32 @!p0 $0x0, s1;
	[sflag:s0] =	ssyncset.done @!p0 $0x0  }
0x83: {  	[sflag:s0] =	ssyncadd.s32 @!p0 s1  }
0x84: {  	[bflag:$0x3] =	sbarrier.arrive $0xFFFF  }
0x85: {  	_ =	shalt  }

// kernel: kernel.7.cloned.1.call-start
scs
__scs_entry_jumppad:
0x0: {  	(pc) =	sbr.rel $0x88, $3  }
0x1: {  	(tag) =	ssettag $0x0;
	lr =	simm.s32 $0x1  }
0x2: {  	[smem:$0x3F9C] =	sst lr;
	_ =	strace $0xD0000000  }
0x3: {  	_ = 	snop  }
0x4: {  	_ = 	snop  }
0x5: {  	_ = 	snop  }
0x6: {  	_ = 	snop  }
0x7: {  	_ = 	snop  }
__scs_overlays_trampoline_lowered:
0x8: {  	[smem:$0x3FAB] =	sst s0  }
0x9: {  	[smem:$0x3FAC] =	sst s1  }
0xa: {  	[smem:$0x3FAD] =	sst s2  }
0xb: {  	[smem:$0x3FAE] =	sst s3  }
0xc: {  	[smem:$0x3FAF] =	sst s4  }
0xd: {  	[smem:$0x3FB0] =	sst s5  }
0xe: {  	[smem:$0x3FB1] =	sst s6  }
0xf: {  	[smem:$0x3FB2] =	sst s7  }
0x10: {  	[smem:$0x3FB3] =	sst s8  }
0x11: {  	[smem:$0x3FB4] =	sst s9;
	s0 =	simm.s32 @!p0 $0x0  }
0x12: {  	s1 =	sld [smem:$0x3F9A];
	s0 =	simm.s32 @p0 $0x1  }
0x13: {  	[smem:$0x3FB5] =	sst s0;
	s0 =	simm.s32 @!p1 $0x0  }
0x14: {  	s2 =	sld [smem:$0x3F99];
	s0 =	simm.s32 @p1 $0x1  }
0x15: {  	[smem:$0x3FB6] =	sst s0;
	s0 =	simm.s32 @!p2 $0x0  }
0x16: {  	s3 =	sld [smem:$0x3FDB];
	s0 =	simm.s32 @p2 $0x1  }
0x17: {  	s4 =	simm.s32 $0x1BF5;
	[smem:$0x3FB8] =	sst s0  }
0x18: {  	s0 =	sld [smem:$0x3F9B];
	_ =	swait.ge [sflag:s4], $0x0  }
0x19: {  	s7 =	sld [smem:$0x3F9C]  }
0x1a: {  	s8 =	sadd.s32 $0xFFFFE003, lr  }
0x1b: {  	s9 =	sadd.s32 $0xFFFFFEF7, lr;
	s5 =	simm.s32 $0xFFFFFFFF;
	p2 =	slt.u32 s8, $0xFFFFF086  }
0x1c: {  	p1 =	slt.u32 s9, $0xF7A;
	s5 =	simm.s32 @!p2 $0x0  }
0x1d: {  	s5 =	simm.s32 @p1 $0x1;
	p0 =	seq.s32 s7, s2  }
0x1e: {  	s7 =	smul.u32 @!p0 $0xF7A, s2;
	p2 =	seq.s32 @!p0 s5, $0x0  }
0x1f: {  	s9 =	smul.u32 $0xF7A, s1;
	s8 =	simm.s32 @!p0 $0x1BF5;
	p2 =	por !p2, p0  }
0x20: {  	[sflag:s8] =	ssyncset.s32 @!p0 $0xFFFFF086;
	s6 =	sadd.s32 @!p0 s3, s7;
	s7 =	simm.s32 @!p0 $0x108  }
0x21: {  	s3 =	sadd.s32 s3, s9;
	s6 =	sadd.s32 @!p0 $0x88, s6;
	s7 =	simm.s32 @p2 $0x1082  }
0x22: {  	[simem:s7], [sflag:s8] =	dma.local @!p0 [hbm:s6], $0xF7A  }
0x23: {  	s9 =	sor.u32 $0xD0000000, s2;
	s6 =	simm.s32 $0x108;
	_ =	swait.ge @!p0 [sflag:s8], $0x0  }
0x24: {  	s3 =	sadd.s32 $0x88, s3;
	s6 =	simm.s32 @!p1 $0x1082;
	[sflag:s4] =	ssyncset.s32 $0xFFFFF086  }
0x25: {  	[simem:s6], [sflag:s4] =	dma.local [hbm:s3], $0xF7A  }
0x26: {  	[smem:$0x3F9C] =	sst s1;
	(tag) =	ssettag s2;
	_ =	strace s9  }
0x27: {  	s1 =	sld [smem:$0x3FAC]  }
0x28: {  	s2 =	sld [smem:$0x3FAD]  }
0x29: {  	s4 =	sld [smem:$0x3FAF]  }
0x2a: {  	p0 =	seq.s32 s5, $0x0;
	s5 =	sld [smem:$0x3FB0]  }
0x2b: {  	s6 =	sld [smem:$0x3FB1]  }
0x2c: {  	s7 =	sld [smem:$0x3FB2]  }
0x2d: {  	s3 =	simm.s32 $0x108;
	s8 =	sld [smem:$0x3FB3]  }
0x2e: {  	s3 =	simm.s32 @!p0 $0x1082;
	s9 =	sld [smem:$0x3FB4]  }
0x2f: {  	lr =	sadd.s32 s0, s3;
	s0 =	sld [smem:$0x3FAB]  }
0x30: {  	s3 =	sld [smem:$0x3FAE]  }
0x31: {  	[smem:$0x3FB7] =	sst s10  }
0x32: {  	s10 =	sld [smem:$0x3FB5];
	_ =	sdelay $0x3  }
0x33: {  	p0 =	seq.s32 s10, $0x1;
	s10 =	sld [smem:$0x3FB7];
	_ =	sdelay $0x3  }
0x34: {  	[smem:$0x3FB7] =	sst s10  }
0x35: {  	s10 =	sld [smem:$0x3FB6];
	_ =	sdelay $0x3  }
0x36: {  	p1 =	seq.s32 s10, $0x1;
	s10 =	sld [smem:$0x3FB7];
	_ =	sdelay $0x3  }
0x37: {  	[smem:$0x3FB7] =	sst s10  }
0x38: {  	s10 =	sld [smem:$0x3FB8]  }
0x39: {  	_ = 	snop;
	(pc) =	sbr.ind lr, $3  }
0x3a: {  	_ = 	snop  }
0x3b: {  	_ = 	snop  }
0x3c: {  	p2 =	seq.s32 s10, $0x1;
	s10 =	sld [smem:$0x3FB7]  }
0x3d: {  	_ =	shalt  }
0x3e: {  	_ =	shalt  }
0x3f: {  	_ =	shalt  }
0x40: {  	_ =	shalt  }
0x41: {  	_ =	shalt  }
0x42: {  	_ =	shalt  }
0x43: {  	_ =	shalt  }
0x44: {  	_ =	shalt  }
0x45: {  	_ =	shalt  }
0x46: {  	_ =	shalt  }
0x47: {  	_ =	shalt  }
0x48: {  	_ =	shalt  }
0x49: {  	_ =	shalt  }
0x4a: {  	_ =	shalt  }
0x4b: {  	_ =	shalt  }
0x4c: {  	_ =	shalt  }
0x4d: {  	_ =	shalt  }
0x4e: {  	_ =	shalt  }
0x4f: {  	_ =	shalt  }
0x50: {  	_ =	shalt  }
0x51: {  	_ =	shalt  }
0x52: {  	_ =	shalt  }
0x53: {  	_ =	shalt  }
0x54: {  	_ =	shalt  }
0x55: {  	_ =	shalt  }
0x56: {  	_ =	shalt  }
0x57: {  	_ =	shalt  }
0x58: {  	_ =	shalt  }
0x59: {  	_ =	shalt  }
0x5a: {  	_ =	shalt  }
0x5b: {  	_ =	shalt  }
0x5c: {  	_ =	shalt  }
0x5d: {  	_ =	shalt  }
0x5e: {  	_ =	shalt  }
0x5f: {  	_ =	shalt  }
0x60: {  	_ =	shalt  }
0x61: {  	_ =	shalt  }
0x62: {  	_ =	shalt  }
0x63: {  	_ =	shalt  }
0x64: {  	_ =	shalt  }
0x65: {  	_ =	shalt  }
0x66: {  	_ =	shalt  }
0x67: {  	_ =	shalt  }
0x68: {  	_ =	shalt  }
0x69: {  	_ =	shalt  }
0x6a: {  	_ =	shalt  }
0x6b: {  	_ =	shalt  }
0x6c: {  	_ =	shalt  }
0x6d: {  	_ =	shalt  }
0x6e: {  	_ =	shalt  }
0x6f: {  	_ =	shalt  }
0x70: {  	_ =	shalt  }
0x71: {  	_ =	shalt  }
0x72: {  	_ =	shalt  }
0x73: {  	_ =	shalt  }
0x74: {  	_ =	shalt  }
0x75: {  	_ =	shalt  }
0x76: {  	_ =	shalt  }
0x77: {  	_ =	shalt  }
0x78: {  	_ =	shalt  }
0x79: {  	_ =	shalt  }
0x7a: {  	_ =	shalt  }
0x7b: {  	_ =	shalt  }
0x7c: {  	_ =	shalt  }
0x7d: {  	_ =	shalt  }
0x7e: {  	_ =	shalt  }
0x7f: {  	_ =	shalt  }
0x80: {  	_ =	shalt  }
0x81: {  	_ =	shalt  }
0x82: {  	_ =	shalt  }
0x83: {  	_ =	shalt  }
0x84: {  	_ =	shalt  }
0x85: {  	_ =	shalt  }
0x86: {  	_ =	shalt  }
0x87: {  	_ =	shalt  }
.Lfunc_end0:
.L_simem_size_0:
called_computation_lowered:
.L_overlay_start_0:
0x88: {  	s2 =	sld [smem:$0x3FD9]  }
0x89: {  	s3 =	sld [smem:$0x3FFE];
	_ =	sdelay $0x1  }
0x8a: {  	s1 =	srdreg.scid  }
0x8b: {  	s0 =	sand.u32 $0x1, s1  }
0x8c: {  	s16 =	sshll.u32 s0, $0xA;
	s2 =	sadd.s32 s3, s2  }
0x8d: {  	s2 =	sadd.s32 s2, s16  }
0x8e: {  	[smem:$0x3FC3] =	sst s2  }
0x8f: {  	_ = 	snop  }
0x90: {  	(tm) =	ssettm $0x1  }
0x91: {  	s17 =	sld [smem:$0x3FFB];
	_ =	sdelay $0x3  }
0x92: {  	_ =	strace s17  }
0x93: {  	s2 =	sld [smem:$0x3FFC];
	_ =	sdelay $0x3  }
0x94: {  	_ =	strace s2  }
0x95: {  	s2 =	sld [smem:$0x3FFD];
	_ =	sdelay $0x3  }
0x96: {  	_ =	strace s2  }
0x97: {  	_ =	strace $0x8FFFFFFF  }
0x98: {  	s18 =	sld [smem:$0x3FDB];
	_ =	sdelay $0x1  }
0x99: {  	s19 =	simm.s32 $_scs_section_size  }
0x9a: {  	s4 =	simm.s32 $_size__tile_overlayer_lowered;
	s5 =	simm.s32 $_tile_overlayer_lowered  }
0x9b: {  	s22 =	simm.s32 $0x1BFF;
	s21 =	sshll.u32 s5, $0x1;
	s2 =	sadd.s32 s19, s18  }
0x9c: {  	s6 =	simm.s32 $0x0;
	s20 =	sshll.u32 s4, $0x1;
	s4 =	sadd.s32 s21, s2  }
0x9d: {  	[timem:s6], [sflag:s22] =	dma.local [hbm:s4], s20  }
0x9e: {  	_ =	swait.ge [sflag:s22], s20  }
0x9f: {  	s3 =	ssub.s32 $0x0, s20;
	[sflag:s22] =	ssyncset.done $0x0  }
0xa0: {  	[sflag:s22] =	ssyncadd.s32 s3;
	_ =	sdelay $0x1  }
0xa1: {  	s23 =	simm.s32 $0x1B8B  }
0xa2: {  	_ =	swait.ge [sflag:s23], $0x1  }
0xa3: {  	[sflag:s23] =	ssyncset.done $0x0  }
0xa4: {  	s25 =	simm.s32 $0x1B8E;
	s24 =	sld [smem:$0x3FFE];
	[sflag:s23] =	ssyncadd.s32 $0xFFFFFFFF  }
0xa5: {  	s26 =	simm.s32 $execute0_lowered;
	[smem:$0x3FD2] =	sst s25  }
0xa6: {  	s4 =	sshll.u32 s26, $0x1;
	_ =	strace $0x80000046;
	[dreg:$0x1] =	wrdreg $0xFFFFFFFF  }
0xa7: {  	s28 =	simm.s32 $_size_execute0_lowered;
	s2 =	sadd.s32 s2, s4;
	[dreg:$0x0] =	wrdreg $0x0  }
0xa8: {  	s4 =	sshll.u32 s28, $0x1;
	[dreg:$0x2] =	wrdreg s2  }
0xa9: {  	[dreg:$0x3] =	wrdreg s4  }
0xaa: {  	[dreg:$0x4] =	wrdreg $0xC0  }
0xab: {  	_ =	task [dreg:s6], $0x5FFFF  }
0xac: {  	[dreg:$0x1] =	wrdreg $0xFFFFFFFF  }
0xad: {  	[dreg:$0x0] =	wrdreg $0x60  }
0xae: {  	[dreg:$0x2] =	wrdreg s24  }
0xaf: {  	[dreg:$0x3] =	wrdreg $0x81000  }
0xb0: {  	[dreg:$0x4] =	wrdreg $0x9  }
0xb1: {  	_ =	task.clear_ibuf [dreg:s6], $0x5FFFF;
	_ =	strace $0x90000046  }
0xb2: {  	s29 =	simm.s32 $0x9;
	_ =	strace $0x80000048  }
0xb3: {  	_ =	swait.ge [sflag:s29], $0x1  }
0xb4: {  	[sflag:s29] =	ssyncadd.s32 $0xFFFFFFFF  }
0xb5: {  	_ =	strace $0x90000048  }
0xb6: {  	_ =	sfence  }
0xb7: {  	s30 =	sld [smem:$0x0];
	_ =	sdelay $0x2  }
0xb8: {  	s31 =	sshll.u32 s1, $0xD;
	s1 =	sshrl.u32 s1, $0x2  }
0xb9: {  	s3 =	sand.u32 $0x4000, s31;
	s1 =	sadd.s32 s1, s30  }
0xba: {  	s0 =	sor.u32 s3, s0;
	s1 =	sshll.u32 s1, $0x11  }
0xbb: {  	s0 =	sor.u32 s1, s0  }
0xbc: {  	s0 =	sadd.s32 $0x8F2B, s0  }
0xbd: {  	[sflag:s0] =	ssyncadd.remote.s32 $0x1  }
0xbe: {  	_ =	sfence.sel $0xFFFF  }
0xbf: {  	[dreg:$0x0] =	wrdreg $0xFFFFFFFF;
	(pc) =	sbr.abs _section_cstart, $3  }
0xc0: {  	[dreg:$0x1] =	wrdreg $0xFFFFFFFF  }
0xc1: {  	_ =	task.clear_ibuf [dreg:s6], $0x2FFFF;
	_ =	strace $0x9FFFFFFF  }
0xc2: {  	(tm) =	ssettm $0x7FFFFFFF  }
0xc3: {  	_ =	shalt  }
tec
execute0_lowered:
.L_overlay_start_1:
0x0: {  	(tag) =	ssettag $0x1  }
0x1: {  	s7 =	rddreg [dreg:$0x0]  }
0x2: {  	s1 =	rddreg [dreg:$0x1]  }
0x3: {  	s0 =	rddreg [dreg:$0x2];
	s2 =	simm.s32 $0x0;
	s6 =	srdreg.scid  }
0x4: {  	s3 =	stileid.u32;
	s19 =	simm.s32 $0x80;
	s20 =	simm.s32 $0x4100  }
0x5: {  	s21 =	simm.s32 $0x1;
	s22 =	simm.s32 $0x2;
	s23 =	simm.s32 $0x0  }
0x6: {  	[smem:$0x7FF] =	sst s2;
	s4 =	sadd.s32 $0x43BA00, s7;
	s5 =	sadd.s32 $0x3BA00, s7  }
0x7: {  	s11 =	sand.u32 $0x1, s6;
	s6 =	sadd.s32 $0x43A00, s7;
	s9 =	sshll.u32 s3, $0xD  }
0x8: {  	s10 =	sshll.u32 s3, $0xB;
	s26 =	sshll.u32 s3, $0xE;
	s28 =	sshll.u32 s3, $0x6  }
0x9: {  	s16 =	sshll.u32 s3, $0x11;
	_ =	strace $0x80000047;
	s8 =	sshll.u32 s11, $0x11  }
0xa: {  	s12 =	ssub.s32 $0x2, s11;
	s13 =	sadd.s32 s10, s7;
	s17 =	sadd.s32 s26, s1  }
0xb: {  	s14 =	sshll.u32 s11, $0xF;
	s11 =	sshll.u32 s11, $0x15;
	s15 =	sor.u32 s9, s8  }
0xc: {  	s24 =	sshrl.u32 s12, $0x1;
	s9 =	sor.u32 $0x1C03, s28;
	s13 =	sadd.s32 s14, s13  }
0xd: {  	s29 =	sadd.s32 s11, s4;
	s17 =	sshrl.u32 s17, $0x3;
	s8 =	sshrl.u32 s15, $0x3  }
0xe: {  	s12 =	ssub.s32 s12, s24;
	s25 =	sshll.u32 s15, $0x4;
	s10 =	sor.u32 $0x1F80, s15  }
0xf: {  	s18 =	sor.u32 $0x80, s15;
	s11 =	sadd.s32 $0x44200, s13;
	s30 =	sadd.s32 s16, s29  }
0x10: {  	s15 =	sor.u32 $0x100, s15;
	s16 =	simm.s32 $0x100;
	s7 =	sadd.s32 s5, s8  }
0x11: {  	s8 =	sadd.s32 s4, s25;
	s31 =	sshrl.u32 s18, $0x3;
	s12 =	smax.u32 s12, $0x1  }
0x12: {  	s13 =	sadd.s32 $0x800, s30;
	s18 =	simm.s32 $0x3;
	s14 =	sadd.s32 s31, s5  }
.LBB2_1:
0x13: {  	[tilespmem:s2], [sflag:$0x1] =	stream.linear.gather [hbm4b:s7+s2], $0x80, $0x38;
	[tilespmem:$0xC100] =	vst v63  }
0x14: {  	_ = 	snop  }
0x15: {  	[tilespmem:s16], [sflag:$0x1] =	stream.linear.gather [hbm4b:s8+s2], $0x4000, $0x38;
	[tilespmem:$0xC100] =	vst v63  }
0x16: {  	[spmem:s17], [sflag:s9] =	dma.local [hbm:s6], $0x800  }
0x17: {  	_ =	swait.ge [sflag:s18], $0x800  }
0x18: {  	[sflag:s18] =	ssyncset.done $0x0  }
0x19: {  	[sflag:s18] =	ssyncadd.s32 $0xFFFFF800  }
0x1a: {  	s24 =	sadd.s32 $0x0, s14;
	[bflag:$0x0] =	sbarrier.arrive $0xFFFF  }
0x1b: {  	[tilespmem:s19], [sflag:$0x2] =	stream.linear.gather [hbm4b:s24+s2], $0x80, $0x38;
	[tilespmem:$0xC100] =	vst v63  }
0x1c: {  	_ = 	snop  }
0x1d: {  	[tilespmem:s20], [sflag:$0x2] =	stream.linear.gather [hbm4b:s13+s2], $0x4000, $0x38;
	[tilespmem:$0xC100] =	vst v63  }
0x1e: {  	_ =	swait.ge [sflag:s21], $0x80  }
0x1f: {  	[sflag:s21] =	ssyncset.done $0x0  }
0x20: {  	[sflag:s21] =	ssyncadd.s32 $0xFFFFFF80  }
0x21: {  	_ =	swait.ge [sflag:s21], $0x4000  }
0x22: {  	[sflag:s21] =	ssyncset.done $0x0  }
0x23: {  	p0 =	slt.s32 s15, s10;
	s24 =	smov.u32 s10;
	[sflag:s21] =	ssyncadd.s32 $0xFFFFC000  }
0x24: {  	[spmem:s1] =	stream.indirect.scatter.add.f32 [tilespmem:s16], [sflag:$0x3], $0x80, s2, s19, $0xb8;
	[tilespmem:$0xC100] =	vst v63  }
0x25: {  	s24 =	smov.u32 @p0 s15;
	_ =	swait.ge [sflag:s18], $0x4000  }
0x26: {  	s25 =	sshrl.u32 s24, $0x3;
	[sflag:s18] =	ssyncset.done $0x0  }
0x27: {  	s24 =	sshll.u32 s24, $0x4;
	s25 =	sadd.s32 s5, s25;
	[sflag:s18] =	ssyncadd.s32 $0xFFFFC000  }
0x28: {  	[tilespmem:s2], [sflag:$0x1] =	stream.linear.gather [hbm4b:s25+s2], $0x80, $0x38;
	[tilespmem:$0xC100] =	vst v63  }
0x29: {  	s24 =	sadd.s32 s4, s24  }
0x2a: {  	[tilespmem:s16], [sflag:$0x1] =	stream.linear.gather [hbm4b:s24+s2], $0x4000, $0x38;
	[tilespmem:$0xC100] =	vst v63  }
0x2b: {  	_ =	swait.ge [sflag:s22], $0x80  }
0x2c: {  	[sflag:s22] =	ssyncset.done $0x0  }
0x2d: {  	[sflag:s22] =	ssyncadd.s32 $0xFFFFFF80  }
0x2e: {  	_ =	swait.ge [sflag:s22], $0x4000  }
0x2f: {  	[sflag:s22] =	ssyncset.done $0x0  }
0x30: {  	[sflag:s22] =	ssyncadd.s32 $0xFFFFC000  }
0x31: {  	[spmem:s1] =	stream.indirect.scatter.add.f32 [tilespmem:s20], [sflag:$0x3], $0x80, s19, s19, $0xb8;
	[tilespmem:$0xC100] =	vst v63  }
0x32: {  	s26 =	simm.s32 $0x20;
	s28 =	simm.s32 $0x40;
	_ =	swait.ge [sflag:s18], $0x4000  }
0x33: {  	s25 =	sadd.s32 $0x1000, s13;
	s24 =	sadd.s32 $0x100, s15;
	[sflag:s18] =	ssyncset.done $0x0  }
.LBB2_2:
0x34: {  	s29 =	sadd.s32 s26, s14  }
0x35: {  	[sflag:s18] =	ssyncadd.s32 $0xFFFFC000;
	s26 =	smov.u32 s28;
	s30 =	sadd.s32 $0x20, s28  }
0x36: {  	[tilespmem:s19], [sflag:$0x2] =	stream.linear.gather [hbm4b:s29+s2], $0x80, $0x38;
	[tilespmem:$0xC100] =	vst v63  }
0x37: {  	p0 =	sne.s32 s28, $0x3E0  }
0x38: {  	[tilespmem:s20], [sflag:$0x2] =	stream.linear.gather [hbm4b:s25+s2], $0x4000, $0x38;
	[tilespmem:$0xC100] =	vst v63  }
0x39: {  	_ =	swait.ge [sflag:s21], $0x80  }
0x3a: {  	[sflag:s21] =	ssyncset.done $0x0  }
0x3b: {  	[sflag:s21] =	ssyncadd.s32 $0xFFFFFF80  }
0x3c: {  	_ =	swait.ge [sflag:s21], $0x4000  }
0x3d: {  	[sflag:s21] =	ssyncset.done $0x0  }
0x3e: {  	p1 =	slt.s32 s24, s10;
	s28 =	smov.u32 s10;
	[sflag:s21] =	ssyncadd.s32 $0xFFFFC000  }
0x3f: {  	[spmem:s1] =	stream.indirect.scatter.add.f32 [tilespmem:s16], [sflag:$0x3], $0x80, s2, s19, $0xb8;
	[tilespmem:$0xC100] =	vst v63  }
0x40: {  	s28 =	smov.u32 @p1 s24;
	_ =	swait.ge [sflag:s18], $0x4000  }
0x41: {  	s29 =	sshrl.u32 s28, $0x3;
	s28 =	sshll.u32 s28, $0x4;
	[sflag:s18] =	ssyncset.done $0x0  }
0x42: {  	s29 =	sadd.s32 s5, s29;
	[sflag:s18] =	ssyncadd.s32 $0xFFFFC000  }
0x43: {  	[tilespmem:s2], [sflag:$0x1] =	stream.linear.gather [hbm4b:s29+s2], $0x80, $0x38;
	[tilespmem:$0xC100] =	vst v63  }
0x44: {  	s28 =	sadd.s32 s4, s28  }
0x45: {  	[tilespmem:s16], [sflag:$0x1] =	stream.linear.gather [hbm4b:s28+s2], $0x4000, $0x38;
	[tilespmem:$0xC100] =	vst v63  }
0x46: {  	_ =	swait.ge [sflag:s22], $0x80  }
0x47: {  	[sflag:s22] =	ssyncset.done $0x0  }
0x48: {  	[sflag:s22] =	ssyncadd.s32 $0xFFFFFF80  }
0x49: {  	_ =	swait.ge [sflag:s22], $0x4000  }
.Ltmp0:
0x4a: {  	[sflag:s22] =	ssyncset.done $0x0;
	(pc) =	sbr.rel @p0 .LBB2_2-.Ltmp0, $4  }
0x4b: {  	[sflag:s22] =	ssyncadd.s32 $0xFFFFC000  }
0x4c: {  	[spmem:s1] =	stream.indirect.scatter.add.f32 [tilespmem:s20], [sflag:$0x3], $0x80, s19, s19, $0xb8;
	[tilespmem:$0xC100] =	vst v63  }
0x4d: {  	s24 =	sadd.s32 $0x100, s24;
	_ =	swait.ge [sflag:s18], $0x4000  }
0x4e: {  	s25 =	sadd.s32 $0x1000, s25;
	s28 =	smov.u32 s30;
	[sflag:s18] =	ssyncset.done $0x0  }
0x4f: {  	s26 =	sadd.s32 s26, s14;
	[sflag:s18] =	ssyncadd.s32 $0xFFFFC000  }
0x50: {  	[tilespmem:s19], [sflag:$0x2] =	stream.linear.gather [hbm4b:s26+s2], $0x80, $0x38;
	[tilespmem:$0xC100] =	vst v63  }
0x51: {  	_ = 	snop  }
0x52: {  	[tilespmem:s20], [sflag:$0x2] =	stream.linear.gather [hbm4b:s25+s2], $0x4000, $0x38;
	[tilespmem:$0xC100] =	vst v63  }
0x53: {  	_ =	swait.ge [sflag:s21], $0x80  }
0x54: {  	[sflag:s21] =	ssyncset.done $0x0  }
0x55: {  	[sflag:s21] =	ssyncadd.s32 $0xFFFFFF80  }
0x56: {  	_ =	swait.ge [sflag:s21], $0x4000  }
0x57: {  	[sflag:s21] =	ssyncset.done $0x0  }
0x58: {  	p0 =	slt.s32 s24, s10;
	s25 =	smov.u32 s10;
	[sflag:s21] =	ssyncadd.s32 $0xFFFFC000  }
0x59: {  	[spmem:s1] =	stream.indirect.scatter.add.f32 [tilespmem:s16], [sflag:$0x3], $0x80, s2, s19, $0xb8;
	[tilespmem:$0xC100] =	vst v63  }
0x5a: {  	s25 =	smov.u32 @p0 s24;
	_ =	swait.ge [sflag:s18], $0x4000  }
0x5b: {  	s24 =	sshrl.u32 s25, $0x3;
	[sflag:s18] =	ssyncset.done $0x0  }
0x5c: {  	s25 =	sshll.u32 s25, $0x4;
	s24 =	sadd.s32 s5, s24;
	[sflag:s18] =	ssyncadd.s32 $0xFFFFC000  }
0x5d: {  	[tilespmem:s2], [sflag:$0x1] =	stream.linear.gather [hbm4b:s24+s2], $0x80, $0x38;
	[tilespmem:$0xC100] =	vst v63  }
0x5e: {  	s31 =	sadd.s32 s4, s25  }
0x5f: {  	[tilespmem:s16], [sflag:$0x1] =	stream.linear.gather [hbm4b:s31+s2], $0x4000, $0x38;
	[tilespmem:$0xC100] =	vst v63  }
0x60: {  	_ =	swait.ge [sflag:s22], $0x80  }
0x61: {  	[sflag:s22] =	ssyncset.done $0x0  }
0x62: {  	[sflag:s22] =	ssyncadd.s32 $0xFFFFFF80  }
0x63: {  	_ =	swait.ge [sflag:s22], $0x4000  }
0x64: {  	[sflag:s22] =	ssyncset.done $0x0  }
0x65: {  	[sflag:s22] =	ssyncadd.s32 $0xFFFFC000  }
0x66: {  	[spmem:s1] =	stream.indirect.scatter.add.f32 [tilespmem:s20], [sflag:$0x3], $0x80, s19, s19, $0xb8;
	[tilespmem:$0xC100] =	vst v63  }
0x67: {  	_ =	swait.ge [sflag:s18], $0x4000  }
0x68: {  	[sflag:s18] =	ssyncset.done $0x0  }
0x69: {  	[sflag:s18] =	ssyncadd.s32 $0xFFFFC000  }
0x6a: {  	_ =	swait.ge [sflag:s21], $0x80  }
0x6b: {  	[sflag:s21] =	ssyncset.done $0x0  }
0x6c: {  	[sflag:s21] =	ssyncadd.s32 $0xFFFFFF80  }
0x6d: {  	_ =	swait.ge [sflag:s21], $0x4000  }
0x6e: {  	s23 =	sadd.s32 $0x1, s23;
	[sflag:s21] =	ssyncset.done $0x0  }
0x6f: {  	p0 =	sne.s32 s23, s12;
	[sflag:s21] =	ssyncadd.s32 $0xFFFFC000  }
.Ltmp1:
0x70: {  	[bflag:$0x0] =	sbarrier.arrive $0xFFFF;
	(pc) =	sbr.rel @p0 .LBB2_1-.Ltmp1, $4  }
0x71: {  	[hbm:s11], [sflag:s9] =	dma.local [spmem:s17], $0x800  }
0x72: {  	_ =	swait.ge [sflag:s18], $0x800  }
0x73: {  	[sflag:s18] =	ssyncset.done $0x0  }
0x74: {  	[sflag:s18] =	ssyncadd.s32 $0xFFFFF800  }
0x75: {  	_ =	sfence.sel $0x180000  }
0x76: {  	[bflag:$0x0] =	sbarrier.arrive $0xFFFF  }
0x77: {  	p0 =	sne.s32 s3, $0x0;
	_ =	strace $0x90000047  }
0x78: {  	s0 =	sadd.s32 @!p0 $0x100000, s0;
	[bflag:$0x2] =	sbarrier.arrive $0xFFFF  }
0x79: {  	[sflag:s0] =	ssyncadd.tile.s32 @!p0 $0x1;
	_ =	shalt  }
.Lfunc_end2:
_tile_overlayer_lowered:
.L_overlay_start_2:
0x7a: {  	(tag) =	ssettag $0x2  }
0x7b: {  	s0 =	rddreg [dreg:$0x0];
	s2 =	stileid.u32  }
0x7c: {  	s1 =	rddreg [dreg:$0x1];
	p0 =	sne.s32 s2, $0x0  }
0x7d: {  	s3 =	rddreg [dreg:$0x2];
	[bflag:$0x3] =	sbarrier.arrive $0xFFFF;
	s2 =	simm.s32 @!p0 $0x1C03  }
0x7e: {  	[timem:s3], [sflag:s2] =	dma.local @!p0 [hbm:s0], s1  }
0x7f: {  	s0 =	simm.s32 @!p0 $0x3  }
0x80: {  	_ =	swait.ge @!p0 [sflag:s0], s1  }
0x81: {  	s1 =	ssub.s32 @!p0 $0x0, s1;
	[sflag:s0] =	ssyncset.done @!p0 $0x0  }
0x82: {  	[sflag:s0] =	ssyncadd.s32 @!p0 s1  }
0x83: {  	[bflag:$0x3] =	sbarrier.arrive $0xFFFF  }
0x84: {  	_ =	shalt  }

</sc_bundles>
